<compile_context>
chip_gen: v7x
topology: tpu7x:2x2x1
jax: 0.10.2.dev20260603
libtpu: 0.0.44.dev20260713+nightly
codegen_flags: <defaults>
</compile_context>

<pallas_src>
import jax
import jax.numpy as jnp
from jax import lax
from jax.experimental import pallas as pl
from jax.experimental.pallas import tpu as pltpu
from jax.experimental.pallas import tpu_sc as plsc

B, N, D_FEAT = 4, 10000, 128
HID, OUT = 3, 4
NB = 10240
NP = B * NB
NR = B * N
E_B = 160000
TPB = 8
EPT = 20096
E_BP = TPB * EPT
NSTEP = EPT // 16
UNROLL = 4
NMAIN = NSTEP // UNROLL * UNROLL

_MESH = plsc.VectorSubcoreMesh(core_axis_name="c", subcore_axis_name="s")
_CP = pltpu.CompilerParams(use_tc_tiling_on_sc=False,
                           needs_layout_passes=False)


def _sc_deg_body(dst_hbm, zeros_hbm, out_hbm, dstbuf, acc):
    cid = lax.axis_index("c")
    sid = lax.axis_index("s")
    wid = cid * 16 + sid

    pltpu.sync_copy(dst_hbm.at[wid], dstbuf)
    pltpu.sync_copy(zeros_hbm, acc)
    ones16 = jnp.full((16,), 1.0, jnp.float32)

    def step(i, carry):
        for u in range(UNROLL):
            dv = dstbuf[pl.ds(i * (16 * UNROLL) + u * 16, 16)]
            plsc.addupdate_scatter(acc, [dv], ones16)
        return carry

    lax.fori_loop(0, NSTEP // UNROLL, step, 0)
    for j in range(NMAIN, NSTEP):
        dv = dstbuf[pl.ds(j * 16, 16)]
        plsc.addupdate_scatter(acc, [dv], ones16)
    pltpu.sync_copy(acc, out_hbm.at[wid])


_sc_deg = pl.kernel(
    _sc_deg_body, mesh=_MESH,
    out_type=jax.ShapeDtypeStruct((32, NB), jnp.float32),
    scratch_types=[pltpu.VMEM((EPT,), jnp.int32),
                   pltpu.VMEM((NB,), jnp.float32)],
    compiler_params=_CP)


def _make_sc_conv(C: int):

    def body(g_hbm, src_hbm, dst_hbm, zeros_hbm, out_hbm,
             srcbuf, dstbuf, gtab, acc):
        cid = lax.axis_index("c")
        sid = lax.axis_index("s")
        wid = cid * 16 + sid
        batch = wid // TPB

        pltpu.sync_copy(dst_hbm.at[wid], dstbuf)
        pltpu.sync_copy(src_hbm.at[wid], srcbuf)
        pltpu.sync_copy(zeros_hbm, acc)
        pltpu.sync_copy(g_hbm.at[:, pl.ds(batch * NB, NB)], gtab)
        cvec = [jnp.full((16,), c, jnp.int32) for c in range(C)]

        def one(j):
            sv = srcbuf[pl.ds(j, 16)]
            dv = dstbuf[pl.ds(j, 16)]
            for c in range(C):
                val = plsc.load_gather(gtab, [cvec[c], sv])
                plsc.addupdate_scatter(acc, [cvec[c], dv], val)

        def step(i, carry):
            for u in range(UNROLL):
                one(i * (16 * UNROLL) + u * 16)
            return carry

        lax.fori_loop(0, NSTEP // UNROLL, step, 0)
        for j in range(NMAIN, NSTEP):
            one(j * 16)
        pltpu.sync_copy(acc, out_hbm.at[wid])

    return pl.kernel(
        body, mesh=_MESH,
        out_type=jax.ShapeDtypeStruct((32, C, NB), jnp.float32),
        scratch_types=[pltpu.VMEM((EPT,), jnp.int32),
                       pltpu.VMEM((EPT,), jnp.int32),
                       pltpu.VMEM((C, NB), jnp.float32),
                       pltpu.VMEM((C, NB), jnp.float32)],
        compiler_params=_CP)


_sc_conv3 = _make_sc_conv(HID)
_sc_conv4 = _make_sc_conv(OUT)



_BLK = 2048
_GRID = NP // _BLK
_BPB = NB // _BLK

_DN = (((1,), (1,)), ((), ()))


def _tc1_body(x_ref, w1t_ref, dp_ref, g1_ref, dinv_ref):
    cnt = jnp.sum(dp_ref[...], axis=0).reshape(1, _BLK)
    dinv = lax.rsqrt(1.0 + cnt)
    h = lax.dot_general(w1t_ref[...], x_ref[...], _DN,
                        preferred_element_type=jnp.float32)
    g1_ref[...] = h * dinv
    dinv_ref[...] = dinv


def _tc1(x, w1t, deg_part):
    return pl.pallas_call(
        _tc1_body,
        grid=(_GRID,),
        in_specs=[
            pl.BlockSpec((_BLK, D_FEAT), lambda i: (i, 0)),
            pl.BlockSpec((HID, D_FEAT), lambda i: (0, 0)),
            pl.BlockSpec((TPB, _BLK), lambda i: (i // _BPB, i % _BPB)),
        ],
        out_specs=[
            pl.BlockSpec((HID, _BLK), lambda i: (0, i)),
            pl.BlockSpec((1, _BLK), lambda i: (0, i)),
        ],
        out_shape=[
            jax.ShapeDtypeStruct((HID, NP), jnp.float32),
            jax.ShapeDtypeStruct((1, NP), jnp.float32),
        ],
    )(x, w1t, deg_part)


def _tc2_body(sp_ref, g1_ref, dinv_ref, w2t_ref, b1_ref, g2_ref):
    i = pl.program_id(0)
    s1 = jnp.sum(sp_ref[...], axis=0)
    dinv = dinv_ref[...]
    pre = dinv * (g1_ref[...] + s1) + b1_ref[...]
    out1 = jnp.maximum(pre, 0.0)
    h2 = jnp.dot(w2t_ref[...], out1,
                 preferred_element_type=jnp.float32)
    local = (i % _BPB) * _BLK + lax.broadcasted_iota(jnp.int32, (1, _BLK), 1)
    g2_ref[...] = jnp.where(local < N, h2 * dinv, 0.0)


def _tc2(s1_part, g1, dinv, w2t, b1):
    return pl.pallas_call(
        _tc2_body,
        grid=(_GRID,),
        in_specs=[
            pl.BlockSpec((TPB, HID, _BLK), lambda i: (i // _BPB, 0, i % _BPB)),
            pl.BlockSpec((HID, _BLK), lambda i: (0, i)),
            pl.BlockSpec((1, _BLK), lambda i: (0, i)),
            pl.BlockSpec((OUT, HID), lambda i: (0, 0)),
            pl.BlockSpec((HID, 1), lambda i: (0, 0)),
        ],
        out_specs=pl.BlockSpec((OUT, _BLK), lambda i: (0, i)),
        out_shape=jax.ShapeDtypeStruct((OUT, NP), jnp.float32),
    )(s1_part, g1, dinv, w2t, b1)


def _tc3_body(sp_ref, g2_ref, dinv_ref, b2_ref, y_ref):
    s2 = jnp.sum(sp_ref[...], axis=0)
    y_ref[...] = dinv_ref[...] * (g2_ref[...] + s2) + b2_ref[...]


def _tc3(s2_part, g2, dinv, b2):
    return pl.pallas_call(
        _tc3_body,
        grid=(_GRID,),
        in_specs=[
            pl.BlockSpec((TPB, OUT, _BLK), lambda i: (i // _BPB, 0, i % _BPB)),
            pl.BlockSpec((OUT, _BLK), lambda i: (0, i)),
            pl.BlockSpec((1, _BLK), lambda i: (0, i)),
            pl.BlockSpec((OUT, 1), lambda i: (0, 0)),
        ],
        out_specs=pl.BlockSpec((OUT, _BLK), lambda i: (0, i)),
        out_shape=jax.ShapeDtypeStruct((OUT, NP), jnp.float32),
    )(s2_part, g2, dinv, b2)


def kernel(node_features, pred_len_t, input_len_t, edge_index_batchdata,
           edge_features_batchdata, W1, b1, W2, b2):
    x = jnp.zeros((B, NB, D_FEAT), jnp.float32).at[:, :N].set(
        node_features.astype(jnp.float32)).reshape(NP, D_FEAT)

    pad = jnp.full((B, E_BP - E_B), N, jnp.int32)
    src = jnp.concatenate([edge_index_batchdata[:, 0, :], pad],
                          axis=1).reshape(32, EPT)
    dst = jnp.concatenate([edge_index_batchdata[:, 1, :], pad],
                          axis=1).reshape(32, EPT)

    z1 = jnp.zeros((NB,), jnp.float32)
    z3 = jnp.zeros((HID, NB), jnp.float32)
    z4 = jnp.zeros((OUT, NB), jnp.float32)
    w1t = W1.astype(jnp.float32).T
    w2t = W2.astype(jnp.float32).T

    deg_part = _sc_deg(dst, z1)
    g1, dinv = _tc1(x, w1t, deg_part)
    s1_part = _sc_conv3(g1, src, dst, z3)
    g2 = _tc2(s1_part, g1, dinv, w2t, b1.reshape(HID, 1))
    s2_part = _sc_conv4(g2, src, dst, z4)
    y = _tc3(s2_part, g2, dinv, b2.reshape(OUT, 1))
    y = y.reshape(OUT, B, NB)[:, :, :N].transpose(1, 2, 0)
    return y.reshape(NR, 1, OUT)

# --- scband reference (transcript-rebuilt; emitter-appended) ---
"""Pipeline reference for scband-graph-dnn-1589137899718 (READ-ONLY COPY).

The authoritative reference and input builder live on the scoring server;
editing this copy changes nothing except your own understanding.
"""

import jax, jax.numpy as jnp
import numpy as np

B, N, D_FEAT = 4, 10000, 128
E, D_EDGE = 160000, 4
HID, OUT = 3, 4  # hidden_layers used as conv1 out dim; num_target


def gcn_conv(x, edge_index, W, b):
    # Faithful PyG GCNConv: x' = D^{-1/2} (A+I) D^{-1/2} (x W) + b
    n = x.shape[0]
    src = jnp.concatenate([edge_index[0], jnp.arange(n)])
    dst = jnp.concatenate([edge_index[1], jnp.arange(n)])
    deg = jnp.zeros((n,), jnp.float32).at[dst].add(1.0)
    dinv = jnp.where(deg > 0, deg ** -0.5, 0.0)
    norm = dinv[src] * dinv[dst]
    h = x @ W
    msg = h[src] * norm[:, None]
    out = jnp.zeros((n, h.shape[1]), jnp.float32).at[dst].add(msg)
    return out + b


def setup_inputs(seed: int = 0) -> dict:
    key = jax.random.key(seed)
    k = jax.random.split(key, 8)
    node_features = jax.random.normal(k[0], (B, N, D_FEAT), dtype=jnp.float32)
    pred_len_t = jnp.ones((1,), dtype=jnp.int32)
    input_len_t = jnp.ones((1,), dtype=jnp.int32)
    edge_index_batchdata = jax.random.randint(k[1], (B, 2, E), 0, N, dtype=jnp.int32)
    edge_features_batchdata = jax.random.uniform(k[2], (B, E, D_EDGE), dtype=jnp.float32)
    W1 = jax.random.normal(k[3], (D_FEAT, HID), dtype=jnp.float32) / np.sqrt(D_FEAT)
    b1 = jnp.zeros((HID,), jnp.float32)
    W2 = jax.random.normal(k[4], (HID, OUT), dtype=jnp.float32) / np.sqrt(HID)
    b2 = jnp.zeros((OUT,), jnp.float32)
    return {"node_features": node_features, "pred_len_t": pred_len_t,
            "input_len_t": input_len_t, "edge_index_batchdata": edge_index_batchdata,
            "edge_features_batchdata": edge_features_batchdata,
            "W1": W1, "b1": b1, "W2": W2, "b2": b2}


def reference(node_features, pred_len_t, input_len_t, edge_index_batchdata,
              edge_features_batchdata, W1, b1, W2, b2):
    # getGraphDataBatch: -1 filtering is identity here (indices in [0, N)),
    # Batch.from_data_list concatenates node features and offsets edge indices.
    b_, n_, d_ = node_features.shape
    x = node_features.reshape(b_ * n_, d_).astype(jnp.float32)
    ei = jnp.concatenate([edge_index_batchdata[i] + i * n_ for i in range(b_)], axis=1)
    h = gcn_conv(x, ei, W1, b1)
    h = jax.nn.relu(h)
    h = gcn_conv(h, ei, W2, b2)
    input_len = input_len_t.shape[0]
    pred_len = pred_len_t.shape[0]
    h = h.reshape(-1, input_len, h.shape[1])
    y = h[:, :pred_len, :]
    return y

if __name__ == "__main__":
    import jax
    _d = setup_inputs()
    print(jax.jit(kernel)(*tuple(_d.values())))

</pallas_src>

<mosaic_0001>
#map = affine_map<(d0, d1) -> (0, 0)>
#map1 = affine_map<(d0, d1) -> (0, 0, 0)>
module attributes {stable_mosaic.version = 14 : i64} {
  func.func @body(%arg0: i32, %arg1: i32, %arg2: memref<3x40960xf32, #tpu.memory_space<hbm>>, %arg3: memref<32x20096xi32, #tpu.memory_space<hbm>>, %arg4: memref<32x20096xi32, #tpu.memory_space<hbm>>, %arg5: memref<3x10240xf32, #tpu.memory_space<hbm>>, %arg6: memref<32x3x10240xf32, #tpu.memory_space<hbm>>, %arg7: memref<20096xi32, #tpu.memory_space<vmem>>, %arg8: memref<20096xi32, #tpu.memory_space<vmem>>, %arg9: memref<3x10240xf32, #tpu.memory_space<vmem>>, %arg10: memref<3x10240xf32, #tpu.memory_space<vmem>>) attributes {dimension_semantics = [#tpu.dimension_semantics<core_parallel>, #tpu.dimension_semantics<subcore_parallel>], iteration_bounds = array<i64: 2, 16>, scalar_prefetch = 0 : i64, scratch_operands = 4 : i64, tpu.core_type = #tpu.core_type<sc_vector_subcore>, window_params = [{transform_indices = #map}, {transform_indices = #map}, {transform_indices = #map}, {transform_indices = #map}, {transform_indices = #map1}]} {
    %mul3A = arith.constant 16 : i32
    %mul3A_0 = arith.muli %arg0, %mul3A : i32
    %add3A = arith.addi %mul3A_0, %arg1 : i32
    %jit3A = arith.constant 8 : i32
    %div3A = arith.divsi %add3A, %jit3A : i32
    %sign3A = arith.constant 0 : i32
    %sign3A_1 = arith.cmpi sgt, %add3A, %sign3A : i32
    %sign3A_2 = arith.extui %sign3A_1 : i1 to i32
    %sign3A_3 = arith.constant 0 : i32
    %sign3A_4 = arith.cmpi slt, %add3A, %sign3A_3 : i32
    %sign3A_5 = arith.extui %sign3A_4 : i1 to i32
    %sign3A_6 = arith.subi %sign3A_2, %sign3A_5 : i32
    %sign3A_7 = arith.constant 0 : i32
    %sign3A_8 = arith.cmpi sgt, %jit3A, %sign3A_7 : i32
    %sign3A_9 = arith.extui %sign3A_8 : i1 to i32
    %sign3A_10 = arith.constant 0 : i32
    %sign3A_11 = arith.cmpi slt, %jit3A, %sign3A_10 : i32
    %sign3A_12 = arith.extui %sign3A_11 : i1 to i32
    %sign3A_13 = arith.subi %sign3A_9, %sign3A_12 : i32
    %ne3A = arith.cmpi ne, %sign3A_6, %sign3A_13 : i32
    %rem3A = arith.remsi %add3A, %jit3A : i32
    %ne3A_14 = arith.constant 0 : i32
    %ne3A_15 = arith.cmpi ne, %rem3A, %ne3A_14 : i32
    %and3A = arith.andi %ne3A, %ne3A_15 : i1
    %sub3A = arith.constant 1 : i32
    %sub3A_16 = arith.subi %div3A, %sub3A : i32
    %select_n3A = arith.select %and3A, %sub3A_16, %div3A : i32
    "tpu.region"() ({
      %run_scoped3A = tpu.sem_alloc : memref<!tpu.dma_semaphore, #tpu.memory_space<semaphore_mem>>
      %dma_start3A = arith.constant 0 : i32
      %dma_start3A_29 = tpu.memref_slice %arg4[%add3A, %dma_start3A] : memref<32x20096xi32, #tpu.memory_space<hbm>> -> memref<1x20096xi32, #tpu.memory_space<hbm>>
      %dma_start3A_30 = tpu.memref_squeeze %dma_start3A_29 : memref<1x20096xi32, #tpu.memory_space<hbm>> -> memref<20096xi32, #tpu.memory_space<hbm>>
      %dma_start3A_31 = arith.constant 0 : i32
      %dma_start3A_32 = tpu.memref_slice %arg4[%add3A, %dma_start3A_31] : memref<32x20096xi32, #tpu.memory_space<hbm>> -> memref<1x20096xi32, #tpu.memory_space<hbm>>
      %dma_start3A_33 = tpu.memref_squeeze %dma_start3A_32 : memref<1x20096xi32, #tpu.memory_space<hbm>> -> memref<20096xi32, #tpu.memory_space<hbm>>
      tpu.enqueue_dma source(%dma_start3A_33 : memref<20096xi32, #tpu.memory_space<hbm>>) target(%arg8 : memref<20096xi32, #tpu.memory_space<vmem>>) target_semaphore(%run_scoped3A : memref<!tpu.dma_semaphore, #tpu.memory_space<semaphore_mem>>)
      %dma_wait3A = arith.constant 0 : i32
      %dma_wait3A_34 = tpu.memref_slice %arg4[%add3A, %dma_wait3A] : memref<32x20096xi32, #tpu.memory_space<hbm>> -> memref<1x20096xi32, #tpu.memory_space<hbm>>
      %dma_wait3A_35 = tpu.memref_squeeze %dma_wait3A_34 : memref<1x20096xi32, #tpu.memory_space<hbm>> -> memref<20096xi32, #tpu.memory_space<hbm>>
      %dma_wait3A_36 = arith.constant 0 : i32
      %dma_wait3A_37 = tpu.memref_slice %arg4[%add3A, %dma_wait3A_36] : memref<32x20096xi32, #tpu.memory_space<hbm>> -> memref<1x20096xi32, #tpu.memory_space<hbm>>
      %dma_wait3A_38 = tpu.memref_squeeze %dma_wait3A_37 : memref<1x20096xi32, #tpu.memory_space<hbm>> -> memref<20096xi32, #tpu.memory_space<hbm>>
      tpu.wait_dma2 semaphore(%run_scoped3A : memref<!tpu.dma_semaphore, #tpu.memory_space<semaphore_mem>>) src(%dma_wait3A_38 : memref<20096xi32, #tpu.memory_space<hbm>>) dst(%arg8 : memref<20096xi32, #tpu.memory_space<vmem>>)
      tpu.yield
    }) : () -> ()
    "tpu.region"() ({
      %run_scoped3A = tpu.sem_alloc : memref<!tpu.dma_semaphore, #tpu.memory_space<semaphore_mem>>
      %dma_start3A = arith.constant 0 : i32
      %dma_start3A_29 = tpu.memref_slice %arg3[%add3A, %dma_start3A] : memref<32x20096xi32, #tpu.memory_space<hbm>> -> memref<1x20096xi32, #tpu.memory_space<hbm>>
      %dma_start3A_30 = tpu.memref_squeeze %dma_start3A_29 : memref<1x20096xi32, #tpu.memory_space<hbm>> -> memref<20096xi32, #tpu.memory_space<hbm>>
      %dma_start3A_31 = arith.constant 0 : i32
      %dma_start3A_32 = tpu.memref_slice %arg3[%add3A, %dma_start3A_31] : memref<32x20096xi32, #tpu.memory_space<hbm>> -> memref<1x20096xi32, #tpu.memory_space<hbm>>
      %dma_start3A_33 = tpu.memref_squeeze %dma_start3A_32 : memref<1x20096xi32, #tpu.memory_space<hbm>> -> memref<20096xi32, #tpu.memory_space<hbm>>
      tpu.enqueue_dma source(%dma_start3A_33 : memref<20096xi32, #tpu.memory_space<hbm>>) target(%arg7 : memref<20096xi32, #tpu.memory_space<vmem>>) target_semaphore(%run_scoped3A : memref<!tpu.dma_semaphore, #tpu.memory_space<semaphore_mem>>)
      %dma_wait3A = arith.constant 0 : i32
      %dma_wait3A_34 = tpu.memref_slice %arg3[%add3A, %dma_wait3A] : memref<32x20096xi32, #tpu.memory_space<hbm>> -> memref<1x20096xi32, #tpu.memory_space<hbm>>
      %dma_wait3A_35 = tpu.memref_squeeze %dma_wait3A_34 : memref<1x20096xi32, #tpu.memory_space<hbm>> -> memref<20096xi32, #tpu.memory_space<hbm>>
      %dma_wait3A_36 = arith.constant 0 : i32
      %dma_wait3A_37 = tpu.memref_slice %arg3[%add3A, %dma_wait3A_36] : memref<32x20096xi32, #tpu.memory_space<hbm>> -> memref<1x20096xi32, #tpu.memory_space<hbm>>
      %dma_wait3A_38 = tpu.memref_squeeze %dma_wait3A_37 : memref<1x20096xi32, #tpu.memory_space<hbm>> -> memref<20096xi32, #tpu.memory_space<hbm>>
      tpu.wait_dma2 semaphore(%run_scoped3A : memref<!tpu.dma_semaphore, #tpu.memory_space<semaphore_mem>>) src(%dma_wait3A_38 : memref<20096xi32, #tpu.memory_space<hbm>>) dst(%arg7 : memref<20096xi32, #tpu.memory_space<vmem>>)
      tpu.yield
    }) : () -> ()
    "tpu.region"() ({
      %run_scoped3A = tpu.sem_alloc : memref<!tpu.dma_semaphore, #tpu.memory_space<semaphore_mem>>
      tpu.enqueue_dma source(%arg5 : memref<3x10240xf32, #tpu.memory_space<hbm>>) target(%arg10 : memref<3x10240xf32, #tpu.memory_space<vmem>>) target_semaphore(%run_scoped3A : memref<!tpu.dma_semaphore, #tpu.memory_space<semaphore_mem>>)
      tpu.wait_dma2 semaphore(%run_scoped3A : memref<!tpu.dma_semaphore, #tpu.memory_space<semaphore_mem>>) src(%arg5 : memref<3x10240xf32, #tpu.memory_space<hbm>>) dst(%arg10 : memref<3x10240xf32, #tpu.memory_space<vmem>>)
      tpu.yield
    }) : () -> ()
    %mul3A_17 = arith.constant 10240 : i32
    %mul3A_18 = arith.muli %select_n3A, %mul3A_17 : i32
    "tpu.region"() ({
      %run_scoped3A = tpu.sem_alloc : memref<!tpu.dma_semaphore, #tpu.memory_space<semaphore_mem>>
      %dma_start3A = arith.constant 0 : i32
      %dma_start3A_29 = tpu.memref_slice %arg2[%dma_start3A, %mul3A_18] : memref<3x40960xf32, #tpu.memory_space<hbm>> -> memref<3x10240xf32, #tpu.memory_space<hbm>>
      %dma_start3A_30 = arith.constant 0 : i32
      %dma_start3A_31 = tpu.memref_slice %arg2[%dma_start3A_30, %mul3A_18] : memref<3x40960xf32, #tpu.memory_space<hbm>> -> memref<3x10240xf32, #tpu.memory_space<hbm>>
      tpu.enqueue_dma source(%dma_start3A_31 : memref<3x10240xf32, #tpu.memory_space<hbm>>) target(%arg9 : memref<3x10240xf32, #tpu.memory_space<vmem>>) target_semaphore(%run_scoped3A : memref<!tpu.dma_semaphore, #tpu.memory_space<semaphore_mem>>)
      %dma_wait3A = arith.constant 0 : i32
      %dma_wait3A_32 = tpu.memref_slice %arg2[%dma_wait3A, %mul3A_18] : memref<3x40960xf32, #tpu.memory_space<hbm>> -> memref<3x10240xf32, #tpu.memory_space<hbm>>
      %dma_wait3A_33 = arith.constant 0 : i32
      %dma_wait3A_34 = tpu.memref_slice %arg2[%dma_wait3A_33, %mul3A_18] : memref<3x40960xf32, #tpu.memory_space<hbm>> -> memref<3x10240xf32, #tpu.memory_space<hbm>>
      tpu.wait_dma2 semaphore(%run_scoped3A : memref<!tpu.dma_semaphore, #tpu.memory_space<semaphore_mem>>) src(%dma_wait3A_34 : memref<3x10240xf32, #tpu.memory_space<hbm>>) dst(%arg9 : memref<3x10240xf32, #tpu.memory_space<vmem>>)
      tpu.yield
    }) : () -> ()
    %broadcast_in_dim3A = arith.constant 0 : i32
    %broadcast_in_dim3A_19 = vector.broadcast %broadcast_in_dim3A : i32 to vector<16xi32>
    %broadcast_in_dim3A_20 = arith.constant 1 : i32
    %broadcast_in_dim3A_21 = vector.broadcast %broadcast_in_dim3A_20 : i32 to vector<16xi32>
    %broadcast_in_dim3A_22 = arith.constant 2 : i32
    %broadcast_in_dim3A_23 = vector.broadcast %broadcast_in_dim3A_22 : i32 to vector<16xi32>
    %scan3A = arith.constant 0 : i32
    %scan3A_24 = arith.constant 0 : i32
    %scan3A_25 = arith.constant 314 : i32
    %scan3A_26 = arith.addi %scan3A_24, %scan3A_25 : i32
    %scan3A_27 = arith.constant 1 : i32
    scf.for %scan3A_29 = %scan3A_24 to %scan3A_26 step %scan3A_27  : i32 {
      %mul3A_30 = arith.constant 64 : i32
      %mul3A_31 = arith.muli %scan3A_29, %mul3A_30 : i32
      %add3A_32 = arith.constant 0 : i32
      %add3A_33 = arith.addi %mul3A_31, %add3A_32 : i32
      %get3A = arith.index_cast %add3A_33 : i32 to index
      %get3A_34 = tpu.vector_load %arg7[%get3A] {strides = array<i32>} : memref<20096xi32, #tpu.memory_space<vmem>>, vector<16xi32>,
      %get3A_35 = arith.index_cast %add3A_33 : i32 to index
      %get3A_36 = tpu.vector_load %arg8[%get3A_35] {strides = array<i32>} : memref<20096xi32, #tpu.memory_space<vmem>>, vector<16xi32>,
      %gather3A = tpu.vector_load_idx %arg9[%broadcast_in_dim3A_19, %get3A_34] : memref<3x10240xf32, #tpu.memory_space<vmem>>[vector<16xi32>, vector<16xi32>], vector<16xf32>,
      tpu.vector_store_idx %arg10[%broadcast_in_dim3A_19, %get3A_36], %gather3A {add = true} : memref<3x10240xf32, #tpu.memory_space<vmem>>[vector<16xi32>, vector<16xi32>], vector<16xf32>,
      %gather3A_37 = tpu.vector_load_idx %arg9[%broadcast_in_dim3A_21, %get3A_34] : memref<3x10240xf32, #tpu.memory_space<vmem>>[vector<16xi32>, vector<16xi32>], vector<16xf32>,
      tpu.vector_store_idx %arg10[%broadcast_in_dim3A_21, %get3A_36], %gather3A_37 {add = true} : memref<3x10240xf32, #tpu.memory_space<vmem>>[vector<16xi32>, vector<16xi32>], vector<16xf32>,
      %gather3A_38 = tpu.vector_load_idx %arg9[%broadcast_in_dim3A_23, %get3A_34] : memref<3x10240xf32, #tpu.memory_space<vmem>>[vector<16xi32>, vector<16xi32>], vector<16xf32>,
      tpu.vector_store_idx %arg10[%broadcast_in_dim3A_23, %get3A_36], %gather3A_38 {add = true} : memref<3x10240xf32, #tpu.memory_space<vmem>>[vector<16xi32>, vector<16xi32>], vector<16xf32>,
      %mul3A_39 = arith.constant 64 : i32
      %mul3A_40 = arith.muli %scan3A_29, %mul3A_39 : i32
      %add3A_41 = arith.constant 16 : i32
      %add3A_42 = arith.addi %mul3A_40, %add3A_41 : i32
      %get3A_43 = arith.index_cast %add3A_42 : i32 to index
      %get3A_44 = tpu.vector_load %arg7[%get3A_43] {strides = array<i32>} : memref<20096xi32, #tpu.memory_space<vmem>>, vector<16xi32>,
      %get3A_45 = arith.index_cast %add3A_42 : i32 to index
      %get3A_46 = tpu.vector_load %arg8[%get3A_45] {strides = array<i32>} : memref<20096xi32, #tpu.memory_space<vmem>>, vector<16xi32>,
      %gather3A_47 = tpu.vector_load_idx %arg9[%broadcast_in_dim3A_19, %get3A_44] : memref<3x10240xf32, #tpu.memory_space<vmem>>[vector<16xi32>, vector<16xi32>], vector<16xf32>,
      tpu.vector_store_idx %arg10[%broadcast_in_dim3A_19, %get3A_46], %gather3A_47 {add = true} : memref<3x10240xf32, #tpu.memory_space<vmem>>[vector<16xi32>, vector<16xi32>], vector<16xf32>,
      %gather3A_48 = tpu.vector_load_idx %arg9[%broadcast_in_dim3A_21, %get3A_44] : memref<3x10240xf32, #tpu.memory_space<vmem>>[vector<16xi32>, vector<16xi32>], vector<16xf32>,
      tpu.vector_store_idx %arg10[%broadcast_in_dim3A_21, %get3A_46], %gather3A_48 {add = true} : memref<3x10240xf32, #tpu.memory_space<vmem>>[vector<16xi32>, vector<16xi32>], vector<16xf32>,
      %gather3A_49 = tpu.vector_load_idx %arg9[%broadcast_in_dim3A_23, %get3A_44] : memref<3x10240xf32, #tpu.memory_space<vmem>>[vector<16xi32>, vector<16xi32>], vector<16xf32>,
      tpu.vector_store_idx %arg10[%broadcast_in_dim3A_23, %get3A_46], %gather3A_49 {add = true} : memref<3x10240xf32, #tpu.memory_space<vmem>>[vector<16xi32>, vector<16xi32>], vector<16xf32>,
      %mul3A_50 = arith.constant 64 : i32
      %mul3A_51 = arith.muli %scan3A_29, %mul3A_50 : i32
      %add3A_52 = arith.constant 32 : i32
      %add3A_53 = arith.addi %mul3A_51, %add3A_52 : i32
      %get3A_54 = arith.index_cast %add3A_53 : i32 to index
      %get3A_55 = tpu.vector_load %arg7[%get3A_54] {strides = array<i32>} : memref<20096xi32, #tpu.memory_space<vmem>>, vector<16xi32>,
      %get3A_56 = arith.index_cast %add3A_53 : i32 to index
      %get3A_57 = tpu.vector_load %arg8[%get3A_56] {strides = array<i32>} : memref<20096xi32, #tpu.memory_space<vmem>>, vector<16xi32>,
      %gather3A_58 = tpu.vector_load_idx %arg9[%broadcast_in_dim3A_19, %get3A_55] : memref<3x10240xf32, #tpu.memory_space<vmem>>[vector<16xi32>, vector<16xi32>], vector<16xf32>,
      tpu.vector_store_idx %arg10[%broadcast_in_dim3A_19, %get3A_57], %gather3A_58 {add = true} : memref<3x10240xf32, #tpu.memory_space<vmem>>[vector<16xi32>, vector<16xi32>], vector<16xf32>,
      %gather3A_59 = tpu.vector_load_idx %arg9[%broadcast_in_dim3A_21, %get3A_55] : memref<3x10240xf32, #tpu.memory_space<vmem>>[vector<16xi32>, vector<16xi32>], vector<16xf32>,
      tpu.vector_store_idx %arg10[%broadcast_in_dim3A_21, %get3A_57], %gather3A_59 {add = true} : memref<3x10240xf32, #tpu.memory_space<vmem>>[vector<16xi32>, vector<16xi32>], vector<16xf32>,
      %gather3A_60 = tpu.vector_load_idx %arg9[%broadcast_in_dim3A_23, %get3A_55] : memref<3x10240xf32, #tpu.memory_space<vmem>>[vector<16xi32>, vector<16xi32>], vector<16xf32>,
      tpu.vector_store_idx %arg10[%broadcast_in_dim3A_23, %get3A_57], %gather3A_60 {add = true} : memref<3x10240xf32, #tpu.memory_space<vmem>>[vector<16xi32>, vector<16xi32>], vector<16xf32>,
      %mul3A_61 = arith.constant 64 : i32
      %mul3A_62 = arith.muli %scan3A_29, %mul3A_61 : i32
      %add3A_63 = arith.constant 48 : i32
      %add3A_64 = arith.addi %mul3A_62, %add3A_63 : i32
      %get3A_65 = arith.index_cast %add3A_64 : i32 to index
      %get3A_66 = tpu.vector_load %arg7[%get3A_65] {strides = array<i32>} : memref<20096xi32, #tpu.memory_space<vmem>>, vector<16xi32>,
      %get3A_67 = arith.index_cast %add3A_64 : i32 to index
      %get3A_68 = tpu.vector_load %arg8[%get3A_67] {strides = array<i32>} : memref<20096xi32, #tpu.memory_space<vmem>>, vector<16xi32>,
      %gather3A_69 = tpu.vector_load_idx %arg9[%broadcast_in_dim3A_19, %get3A_66] : memref<3x10240xf32, #tpu.memory_space<vmem>>[vector<16xi32>, vector<16xi32>], vector<16xf32>,
      tpu.vector_store_idx %arg10[%broadcast_in_dim3A_19, %get3A_68], %gather3A_69 {add = true} : memref<3x10240xf32, #tpu.memory_space<vmem>>[vector<16xi32>, vector<16xi32>], vector<16xf32>,
      %gather3A_70 = tpu.vector_load_idx %arg9[%broadcast_in_dim3A_21, %get3A_66] : memref<3x10240xf32, #tpu.memory_space<vmem>>[vector<16xi32>, vector<16xi32>], vector<16xf32>,
      tpu.vector_store_idx %arg10[%broadcast_in_dim3A_21, %get3A_68], %gather3A_70 {add = true} : memref<3x10240xf32, #tpu.memory_space<vmem>>[vector<16xi32>, vector<16xi32>], vector<16xf32>,
      %gather3A_71 = tpu.vector_load_idx %arg9[%broadcast_in_dim3A_23, %get3A_66] : memref<3x10240xf32, #tpu.memory_space<vmem>>[vector<16xi32>, vector<16xi32>], vector<16xf32>,
      tpu.vector_store_idx %arg10[%broadcast_in_dim3A_23, %get3A_68], %gather3A_71 {add = true} : memref<3x10240xf32, #tpu.memory_space<vmem>>[vector<16xi32>, vector<16xi32>], vector<16xf32>,
    }
    %scan3A_28 = arith.constant 314 : i32
    "tpu.region"() ({
      %run_scoped3A = tpu.sem_alloc : memref<!tpu.dma_semaphore, #tpu.memory_space<semaphore_mem>>
      %dma_start3A = arith.constant 0 : i32
      %dma_start3A_29 = arith.constant 0 : i32
      %dma_start3A_30 = tpu.memref_slice %arg6[%add3A, %dma_start3A, %dma_start3A_29] : memref<32x3x10240xf32, #tpu.memory_space<hbm>> -> memref<1x3x10240xf32, #tpu.memory_space<hbm>>
      %dma_start3A_31 = tpu.memref_squeeze %dma_start3A_30 : memref<1x3x10240xf32, #tpu.memory_space<hbm>> -> memref<3x10240xf32, #tpu.memory_space<hbm>>
      %dma_start3A_32 = arith.constant 0 : i32
      %dma_start3A_33 = arith.constant 0 : i32
      %dma_start3A_34 = tpu.memref_slice %arg6[%add3A, %dma_start3A_32, %dma_start3A_33] : memref<32x3x10240xf32, #tpu.memory_space<hbm>> -> memref<1x3x10240xf32, #tpu.memory_space<hbm>>
      %dma_start3A_35 = tpu.memref_squeeze %dma_start3A_34 : memref<1x3x10240xf32, #tpu.memory_space<hbm>> -> memref<3x10240xf32, #tpu.memory_space<hbm>>
      tpu.enqueue_dma source(%arg10 : memref<3x10240xf32, #tpu.memory_space<vmem>>) target(%dma_start3A_35 : memref<3x10240xf32, #tpu.memory_space<hbm>>) target_semaphore(%run_scoped3A : memref<!tpu.dma_semaphore, #tpu.memory_space<semaphore_mem>>)
      %dma_wait3A = arith.constant 0 : i32
      %dma_wait3A_36 = arith.constant 0 : i32
      %dma_wait3A_37 = tpu.memref_slice %arg6[%add3A, %dma_wait3A, %dma_wait3A_36] : memref<32x3x10240xf32, #tpu.memory_space<hbm>> -> memref<1x3x10240xf32, #tpu.memory_space<hbm>>
      %dma_wait3A_38 = tpu.memref_squeeze %dma_wait3A_37 : memref<1x3x10240xf32, #tpu.memory_space<hbm>> -> memref<3x10240xf32, #tpu.memory_space<hbm>>
      %dma_wait3A_39 = arith.constant 0 : i32
      %dma_wait3A_40 = arith.constant 0 : i32
      %dma_wait3A_41 = tpu.memref_slice %arg6[%add3A, %dma_wait3A_39, %dma_wait3A_40] : memref<32x3x10240xf32, #tpu.memory_space<hbm>> -> memref<1x3x10240xf32, #tpu.memory_space<hbm>>
      %dma_wait3A_42 = tpu.memref_squeeze %dma_wait3A_41 : memref<1x3x10240xf32, #tpu.memory_space<hbm>> -> memref<3x10240xf32, #tpu.memory_space<hbm>>
      tpu.wait_dma2 semaphore(%run_scoped3A : memref<!tpu.dma_semaphore, #tpu.memory_space<semaphore_mem>>) src(%arg10 : memref<3x10240xf32, #tpu.memory_space<vmem>>) dst(%dma_wait3A_42 : memref<3x10240xf32, #tpu.memory_space<hbm>>)
      tpu.yield
    }) : () -> ()
    return
  }
}

#map = affine_map<(d0, d1) -> (0, 0)>
#map1 = affine_map<(d0, d1) -> (0, 0, 0)>
module attributes {stable_mosaic.version = 14 : i64} {
  func.func @body(%arg0: i32, %arg1: i32, %arg2: memref<4x40960xf32, #tpu.memory_space<hbm>>, %arg3: memref<32x20096xi32, #tpu.memory_space<hbm>>, %arg4: memref<32x20096xi32, #tpu.memory_space<hbm>>, %arg5: memref<4x10240xf32, #tpu.memory_space<hbm>>, %arg6: memref<32x4x10240xf32, #tpu.memory_space<hbm>>, %arg7: memref<20096xi32, #tpu.memory_space<vmem>>, %arg8: memref<20096xi32, #tpu.memory_space<vmem>>, %arg9: memref<4x10240xf32, #tpu.memory_space<vmem>>, %arg10: memref<4x10240xf32, #tpu.memory_space<vmem>>) attributes {dimension_semantics = [#tpu.dimension_semantics<core_parallel>, #tpu.dimension_semantics<subcore_parallel>], iteration_bounds = array<i64: 2, 16>, scalar_prefetch = 0 : i64, scratch_operands = 4 : i64, tpu.core_type = #tpu.core_type<sc_vector_subcore>, window_params = [{transform_indices = #map}, {transform_indices = #map}, {transform_indices = #map}, {transform_indices = #map}, {transform_indices = #map1}]} {
    %mul3A = arith.constant 16 : i32
    %mul3A_0 = arith.muli %arg0, %mul3A : i32
    %add3A = arith.addi %mul3A_0, %arg1 : i32
    %jit3A = arith.constant 8 : i32
    %div3A = arith.divsi %add3A, %jit3A : i32
    %sign3A = arith.constant 0 : i32
    %sign3A_1 = arith.cmpi sgt, %add3A, %sign3A : i32
    %sign3A_2 = arith.extui %sign3A_1 : i1 to i32
    %sign3A_3 = arith.constant 0 : i32
    %sign3A_4 = arith.cmpi slt, %add3A, %sign3A_3 : i32
    %sign3A_5 = arith.extui %sign3A_4 : i1 to i32
    %sign3A_6 = arith.subi %sign3A_2, %sign3A_5 : i32
    %sign3A_7 = arith.constant 0 : i32
    %sign3A_8 = arith.cmpi sgt, %jit3A, %sign3A_7 : i32
    %sign3A_9 = arith.extui %sign3A_8 : i1 to i32
    %sign3A_10 = arith.constant 0 : i32
    %sign3A_11 = arith.cmpi slt, %jit3A, %sign3A_10 : i32
    %sign3A_12 = arith.extui %sign3A_11 : i1 to i32
    %sign3A_13 = arith.subi %sign3A_9, %sign3A_12 : i32
    %ne3A = arith.cmpi ne, %sign3A_6, %sign3A_13 : i32
    %rem3A = arith.remsi %add3A, %jit3A : i32
    %ne3A_14 = arith.constant 0 : i32
    %ne3A_15 = arith.cmpi ne, %rem3A, %ne3A_14 : i32
    %and3A = arith.andi %ne3A, %ne3A_15 : i1
    %sub3A = arith.constant 1 : i32
    %sub3A_16 = arith.subi %div3A, %sub3A : i32
    %select_n3A = arith.select %and3A, %sub3A_16, %div3A : i32
    "tpu.region"() ({
      %run_scoped3A = tpu.sem_alloc : memref<!tpu.dma_semaphore, #tpu.memory_space<semaphore_mem>>
      %dma_start3A = arith.constant 0 : i32
      %dma_start3A_31 = tpu.memref_slice %arg4[%add3A, %dma_start3A] : memref<32x20096xi32, #tpu.memory_space<hbm>> -> memref<1x20096xi32, #tpu.memory_space<hbm>>
      %dma_start3A_32 = tpu.memref_squeeze %dma_start3A_31 : memref<1x20096xi32, #tpu.memory_space<hbm>> -> memref<20096xi32, #tpu.memory_space<hbm>>
      %dma_start3A_33 = arith.constant 0 : i32
      %dma_start3A_34 = tpu.memref_slice %arg4[%add3A, %dma_start3A_33] : memref<32x20096xi32, #tpu.memory_space<hbm>> -> memref<1x20096xi32, #tpu.memory_space<hbm>>
      %dma_start3A_35 = tpu.memref_squeeze %dma_start3A_34 : memref<1x20096xi32, #tpu.memory_space<hbm>> -> memref<20096xi32, #tpu.memory_space<hbm>>
      tpu.enqueue_dma source(%dma_start3A_35 : memref<20096xi32, #tpu.memory_space<hbm>>) target(%arg8 : memref<20096xi32, #tpu.memory_space<vmem>>) target_semaphore(%run_scoped3A : memref<!tpu.dma_semaphore, #tpu.memory_space<semaphore_mem>>)
      %dma_wait3A = arith.constant 0 : i32
      %dma_wait3A_36 = tpu.memref_slice %arg4[%add3A, %dma_wait3A] : memref<32x20096xi32, #tpu.memory_space<hbm>> -> memref<1x20096xi32, #tpu.memory_space<hbm>>
      %dma_wait3A_37 = tpu.memref_squeeze %dma_wait3A_36 : memref<1x20096xi32, #tpu.memory_space<hbm>> -> memref<20096xi32, #tpu.memory_space<hbm>>
      %dma_wait3A_38 = arith.constant 0 : i32
      %dma_wait3A_39 = tpu.memref_slice %arg4[%add3A, %dma_wait3A_38] : memref<32x20096xi32, #tpu.memory_space<hbm>> -> memref<1x20096xi32, #tpu.memory_space<hbm>>
      %dma_wait3A_40 = tpu.memref_squeeze %dma_wait3A_39 : memref<1x20096xi32, #tpu.memory_space<hbm>> -> memref<20096xi32, #tpu.memory_space<hbm>>
      tpu.wait_dma2 semaphore(%run_scoped3A : memref<!tpu.dma_semaphore, #tpu.memory_space<semaphore_mem>>) src(%dma_wait3A_40 : memref<20096xi32, #tpu.memory_space<hbm>>) dst(%arg8 : memref<20096xi32, #tpu.memory_space<vmem>>)
      tpu.yield
    }) : () -> ()
    "tpu.region"() ({
      %run_scoped3A = tpu.sem_alloc : memref<!tpu.dma_semaphore, #tpu.memory_space<semaphore_mem>>
      %dma_start3A = arith.constant 0 : i32
      %dma_start3A_31 = tpu.memref_slice %arg3[%add3A, %dma_start3A] : memref<32x20096xi32, #tpu.memory_space<hbm>> -> memref<1x20096xi32, #tpu.memory_space<hbm>>
      %dma_start3A_32 = tpu.memref_squeeze %dma_start3A_31 : memref<1x20096xi32, #tpu.memory_space<hbm>> -> memref<20096xi32, #tpu.memory_space<hbm>>
      %dma_start3A_33 = arith.constant 0 : i32
      %dma_start3A_34 = tpu.memref_slice %arg3[%add3A, %dma_start3A_33] : memref<32x20096xi32, #tpu.memory_space<hbm>> -> memref<1x20096xi32, #tpu.memory_space<hbm>>
      %dma_start3A_35 = tpu.memref_squeeze %dma_start3A_34 : memref<1x20096xi32, #tpu.memory_space<hbm>> -> memref<20096xi32, #tpu.memory_space<hbm>>
      tpu.enqueue_dma source(%dma_start3A_35 : memref<20096xi32, #tpu.memory_space<hbm>>) target(%arg7 : memref<20096xi32, #tpu.memory_space<vmem>>) target_semaphore(%run_scoped3A : memref<!tpu.dma_semaphore, #tpu.memory_space<semaphore_mem>>)
      %dma_wait3A = arith.constant 0 : i32
      %dma_wait3A_36 = tpu.memref_slice %arg3[%add3A, %dma_wait3A] : memref<32x20096xi32, #tpu.memory_space<hbm>> -> memref<1x20096xi32, #tpu.memory_space<hbm>>
      %dma_wait3A_37 = tpu.memref_squeeze %dma_wait3A_36 : memref<1x20096xi32, #tpu.memory_space<hbm>> -> memref<20096xi32, #tpu.memory_space<hbm>>
      %dma_wait3A_38 = arith.constant 0 : i32
      %dma_wait3A_39 = tpu.memref_slice %arg3[%add3A, %dma_wait3A_38] : memref<32x20096xi32, #tpu.memory_space<hbm>> -> memref<1x20096xi32, #tpu.memory_space<hbm>>
      %dma_wait3A_40 = tpu.memref_squeeze %dma_wait3A_39 : memref<1x20096xi32, #tpu.memory_space<hbm>> -> memref<20096xi32, #tpu.memory_space<hbm>>
      tpu.wait_dma2 semaphore(%run_scoped3A : memref<!tpu.dma_semaphore, #tpu.memory_space<semaphore_mem>>) src(%dma_wait3A_40 : memref<20096xi32, #tpu.memory_space<hbm>>) dst(%arg7 : memref<20096xi32, #tpu.memory_space<vmem>>)
      tpu.yield
    }) : () -> ()
    "tpu.region"() ({
      %run_scoped3A = tpu.sem_alloc : memref<!tpu.dma_semaphore, #tpu.memory_space<semaphore_mem>>
      tpu.enqueue_dma source(%arg5 : memref<4x10240xf32, #tpu.memory_space<hbm>>) target(%arg10 : memref<4x10240xf32, #tpu.memory_space<vmem>>) target_semaphore(%run_scoped3A : memref<!tpu.dma_semaphore, #tpu.memory_space<semaphore_mem>>)
      tpu.wait_dma2 semaphore(%run_scoped3A : memref<!tpu.dma_semaphore, #tpu.memory_space<semaphore_mem>>) src(%arg5 : memref<4x10240xf32, #tpu.memory_space<hbm>>) dst(%arg10 : memref<4x10240xf32, #tpu.memory_space<vmem>>)
      tpu.yield
    }) : () -> ()
    %mul3A_17 = arith.constant 10240 : i32
    %mul3A_18 = arith.muli %select_n3A, %mul3A_17 : i32
    "tpu.region"() ({
      %run_scoped3A = tpu.sem_alloc : memref<!tpu.dma_semaphore, #tpu.memory_space<semaphore_mem>>
      %dma_start3A = arith.constant 0 : i32
      %dma_start3A_31 = tpu.memref_slice %arg2[%dma_start3A, %mul3A_18] : memref<4x40960xf32, #tpu.memory_space<hbm>> -> memref<4x10240xf32, #tpu.memory_space<hbm>>
      %dma_start3A_32 = arith.constant 0 : i32
      %dma_start3A_33 = tpu.memref_slice %arg2[%dma_start3A_32, %mul3A_18] : memref<4x40960xf32, #tpu.memory_space<hbm>> -> memref<4x10240xf32, #tpu.memory_space<hbm>>
      tpu.enqueue_dma source(%dma_start3A_33 : memref<4x10240xf32, #tpu.memory_space<hbm>>) target(%arg9 : memref<4x10240xf32, #tpu.memory_space<vmem>>) target_semaphore(%run_scoped3A : memref<!tpu.dma_semaphore, #tpu.memory_space<semaphore_mem>>)
      %dma_wait3A = arith.constant 0 : i32
      %dma_wait3A_34 = tpu.memref_slice %arg2[%dma_wait3A, %mul3A_18] : memref<4x40960xf32, #tpu.memory_space<hbm>> -> memref<4x10240xf32, #tpu.memory_space<hbm>>
      %dma_wait3A_35 = arith.constant 0 : i32
      %dma_wait3A_36 = tpu.memref_slice %arg2[%dma_wait3A_35, %mul3A_18] : memref<4x40960xf32, #tpu.memory_space<hbm>> -> memref<4x10240xf32, #tpu.memory_space<hbm>>
      tpu.wait_dma2 semaphore(%run_scoped3A : memref<!tpu.dma_semaphore, #tpu.memory_space<semaphore_mem>>) src(%dma_wait3A_36 : memref<4x10240xf32, #tpu.memory_space<hbm>>) dst(%arg9 : memref<4x10240xf32, #tpu.memory_space<vmem>>)
      tpu.yield
    }) : () -> ()
    %broadcast_in_dim3A = arith.constant 0 : i32
    %broadcast_in_dim3A_19 = vector.broadcast %broadcast_in_dim3A : i32 to vector<16xi32>
    %broadcast_in_dim3A_20 = arith.constant 1 : i32
    %broadcast_in_dim3A_21 = vector.broadcast %broadcast_in_dim3A_20 : i32 to vector<16xi32>
    %broadcast_in_dim3A_22 = arith.constant 2 : i32
    %broadcast_in_dim3A_23 = vector.broadcast %broadcast_in_dim3A_22 : i32 to vector<16xi32>
    %broadcast_in_dim3A_24 = arith.constant 3 : i32
    %broadcast_in_dim3A_25 = vector.broadcast %broadcast_in_dim3A_24 : i32 to vector<16xi32>
    %scan3A = arith.constant 0 : i32
    %scan3A_26 = arith.constant 0 : i32
    %scan3A_27 = arith.constant 314 : i32
    %scan3A_28 = arith.addi %scan3A_26, %scan3A_27 : i32
    %scan3A_29 = arith.constant 1 : i32
    scf.for %scan3A_31 = %scan3A_26 to %scan3A_28 step %scan3A_29  : i32 {
      %mul3A_32 = arith.constant 64 : i32
      %mul3A_33 = arith.muli %scan3A_31, %mul3A_32 : i32
      %add3A_34 = arith.constant 0 : i32
      %add3A_35 = arith.addi %mul3A_33, %add3A_34 : i32
      %get3A = arith.index_cast %add3A_35 : i32 to index
      %get3A_36 = tpu.vector_load %arg7[%get3A] {strides = array<i32>} : memref<20096xi32, #tpu.memory_space<vmem>>, vector<16xi32>,
      %get3A_37 = arith.index_cast %add3A_35 : i32 to index
      %get3A_38 = tpu.vector_load %arg8[%get3A_37] {strides = array<i32>} : memref<20096xi32, #tpu.memory_space<vmem>>, vector<16xi32>,
      %gather3A = tpu.vector_load_idx %arg9[%broadcast_in_dim3A_19, %get3A_36] : memref<4x10240xf32, #tpu.memory_space<vmem>>[vector<16xi32>, vector<16xi32>], vector<16xf32>,
      tpu.vector_store_idx %arg10[%broadcast_in_dim3A_19, %get3A_38], %gather3A {add = true} : memref<4x10240xf32, #tpu.memory_space<vmem>>[vector<16xi32>, vector<16xi32>], vector<16xf32>,
      %gather3A_39 = tpu.vector_load_idx %arg9[%broadcast_in_dim3A_21, %get3A_36] : memref<4x10240xf32, #tpu.memory_space<vmem>>[vector<16xi32>, vector<16xi32>], vector<16xf32>,
      tpu.vector_store_idx %arg10[%broadcast_in_dim3A_21, %get3A_38], %gather3A_39 {add = true} : memref<4x10240xf32, #tpu.memory_space<vmem>>[vector<16xi32>, vector<16xi32>], vector<16xf32>,
      %gather3A_40 = tpu.vector_load_idx %arg9[%broadcast_in_dim3A_23, %get3A_36] : memref<4x10240xf32, #tpu.memory_space<vmem>>[vector<16xi32>, vector<16xi32>], vector<16xf32>,
      tpu.vector_store_idx %arg10[%broadcast_in_dim3A_23, %get3A_38], %gather3A_40 {add = true} : memref<4x10240xf32, #tpu.memory_space<vmem>>[vector<16xi32>, vector<16xi32>], vector<16xf32>,
      %gather3A_41 = tpu.vector_load_idx %arg9[%broadcast_in_dim3A_25, %get3A_36] : memref<4x10240xf32, #tpu.memory_space<vmem>>[vector<16xi32>, vector<16xi32>], vector<16xf32>,
      tpu.vector_store_idx %arg10[%broadcast_in_dim3A_25, %get3A_38], %gather3A_41 {add = true} : memref<4x10240xf32, #tpu.memory_space<vmem>>[vector<16xi32>, vector<16xi32>], vector<16xf32>,
      %mul3A_42 = arith.constant 64 : i32
      %mul3A_43 = arith.muli %scan3A_31, %mul3A_42 : i32
      %add3A_44 = arith.constant 16 : i32
      %add3A_45 = arith.addi %mul3A_43, %add3A_44 : i32
      %get3A_46 = arith.index_cast %add3A_45 : i32 to index
      %get3A_47 = tpu.vector_load %arg7[%get3A_46] {strides = array<i32>} : memref<20096xi32, #tpu.memory_space<vmem>>, vector<16xi32>,
      %get3A_48 = arith.index_cast %add3A_45 : i32 to index
      %get3A_49 = tpu.vector_load %arg8[%get3A_48] {strides = array<i32>} : memref<20096xi32, #tpu.memory_space<vmem>>, vector<16xi32>,
      %gather3A_50 = tpu.vector_load_idx %arg9[%broadcast_in_dim3A_19, %get3A_47] : memref<4x10240xf32, #tpu.memory_space<vmem>>[vector<16xi32>, vector<16xi32>], vector<16xf32>,
      tpu.vector_store_idx %arg10[%broadcast_in_dim3A_19, %get3A_49], %gather3A_50 {add = true} : memref<4x10240xf32, #tpu.memory_space<vmem>>[vector<16xi32>, vector<16xi32>], vector<16xf32>,
      %gather3A_51 = tpu.vector_load_idx %arg9[%broadcast_in_dim3A_21, %get3A_47] : memref<4x10240xf32, #tpu.memory_space<vmem>>[vector<16xi32>, vector<16xi32>], vector<16xf32>,
      tpu.vector_store_idx %arg10[%broadcast_in_dim3A_21, %get3A_49], %gather3A_51 {add = true} : memref<4x10240xf32, #tpu.memory_space<vmem>>[vector<16xi32>, vector<16xi32>], vector<16xf32>,
      %gather3A_52 = tpu.vector_load_idx %arg9[%broadcast_in_dim3A_23, %get3A_47] : memref<4x10240xf32, #tpu.memory_space<vmem>>[vector<16xi32>, vector<16xi32>], vector<16xf32>,
      tpu.vector_store_idx %arg10[%broadcast_in_dim3A_23, %get3A_49], %gather3A_52 {add = true} : memref<4x10240xf32, #tpu.memory_space<vmem>>[vector<16xi32>, vector<16xi32>], vector<16xf32>,
      %gather3A_53 = tpu.vector_load_idx %arg9[%broadcast_in_dim3A_25, %get3A_47] : memref<4x10240xf32, #tpu.memory_space<vmem>>[vector<16xi32>, vector<16xi32>], vector<16xf32>,
      tpu.vector_store_idx %arg10[%broadcast_in_dim3A_25, %get3A_49], %gather3A_53 {add = true} : memref<4x10240xf32, #tpu.memory_space<vmem>>[vector<16xi32>, vector<16xi32>], vector<16xf32>,
      %mul3A_54 = arith.constant 64 : i32
      %mul3A_55 = arith.muli %scan3A_31, %mul3A_54 : i32
      %add3A_56 = arith.constant 32 : i32
      %add3A_57 = arith.addi %mul3A_55, %add3A_56 : i32
      %get3A_58 = arith.index_cast %add3A_57 : i32 to index
      %get3A_59 = tpu.vector_load %arg7[%get3A_58] {strides = array<i32>} : memref<20096xi32, #tpu.memory_space<vmem>>, vector<16xi32>,
      %get3A_60 = arith.index_cast %add3A_57 : i32 to index
      %get3A_61 = tpu.vector_load %arg8[%get3A_60] {strides = array<i32>} : memref<20096xi32, #tpu.memory_space<vmem>>, vector<16xi32>,
      %gather3A_62 = tpu.vector_load_idx %arg9[%broadcast_in_dim3A_19, %get3A_59] : memref<4x10240xf32, #tpu.memory_space<vmem>>[vector<16xi32>, vector<16xi32>], vector<16xf32>,
      tpu.vector_store_idx %arg10[%broadcast_in_dim3A_19, %get3A_61], %gather3A_62 {add = true} : memref<4x10240xf32, #tpu.memory_space<vmem>>[vector<16xi32>, vector<16xi32>], vector<16xf32>,
      %gather3A_63 = tpu.vector_load_idx %arg9[%broadcast_in_dim3A_21, %get3A_59] : memref<4x10240xf32, #tpu.memory_space<vmem>>[vector<16xi32>, vector<16xi32>], vector<16xf32>,
      tpu.vector_store_idx %arg10[%broadcast_in_dim3A_21, %get3A_61], %gather3A_63 {add = true} : memref<4x10240xf32, #tpu.memory_space<vmem>>[vector<16xi32>, vector<16xi32>], vector<16xf32>,
      %gather3A_64 = tpu.vector_load_idx %arg9[%broadcast_in_dim3A_23, %get3A_59] : memref<4x10240xf32, #tpu.memory_space<vmem>>[vector<16xi32>, vector<16xi32>], vector<16xf32>,
      tpu.vector_store_idx %arg10[%broadcast_in_dim3A_23, %get3A_61], %gather3A_64 {add = true} : memref<4x10240xf32, #tpu.memory_space<vmem>>[vector<16xi32>, vector<16xi32>], vector<16xf32>,
      %gather3A_65 = tpu.vector_load_idx %arg9[%broadcast_in_dim3A_25, %get3A_59] : memref<4x10240xf32, #tpu.memory_space<vmem>>[vector<16xi32>, vector<16xi32>], vector<16xf32>,
      tpu.vector_store_idx %arg10[%broadcast_in_dim3A_25, %get3A_61], %gather3A_65 {add = true} : memref<4x10240xf32, #tpu.memory_space<vmem>>[vector<16xi32>, vector<16xi32>], vector<16xf32>,
      %mul3A_66 = arith.constant 64 : i32
      %mul3A_67 = arith.muli %scan3A_31, %mul3A_66 : i32
      %add3A_68 = arith.constant 48 : i32
      %add3A_69 = arith.addi %mul3A_67, %add3A_68 : i32
      %get3A_70 = arith.index_cast %add3A_69 : i32 to index
      %get3A_71 = tpu.vector_load %arg7[%get3A_70] {strides = array<i32>} : memref<20096xi32, #tpu.memory_space<vmem>>, vector<16xi32>,
      %get3A_72 = arith.index_cast %add3A_69 : i32 to index
      %get3A_73 = tpu.vector_load %arg8[%get3A_72] {strides = array<i32>} : memref<20096xi32, #tpu.memory_space<vmem>>, vector<16xi32>,
      %gather3A_74 = tpu.vector_load_idx %arg9[%broadcast_in_dim3A_19, %get3A_71] : memref<4x10240xf32, #tpu.memory_space<vmem>>[vector<16xi32>, vector<16xi32>], vector<16xf32>,
      tpu.vector_store_idx %arg10[%broadcast_in_dim3A_19, %get3A_73], %gather3A_74 {add = true} : memref<4x10240xf32, #tpu.memory_space<vmem>>[vector<16xi32>, vector<16xi32>], vector<16xf32>,
      %gather3A_75 = tpu.vector_load_idx %arg9[%broadcast_in_dim3A_21, %get3A_71] : memref<4x10240xf32, #tpu.memory_space<vmem>>[vector<16xi32>, vector<16xi32>], vector<16xf32>,
      tpu.vector_store_idx %arg10[%broadcast_in_dim3A_21, %get3A_73], %gather3A_75 {add = true} : memref<4x10240xf32, #tpu.memory_space<vmem>>[vector<16xi32>, vector<16xi32>], vector<16xf32>,
      %gather3A_76 = tpu.vector_load_idx %arg9[%broadcast_in_dim3A_23, %get3A_71] : memref<4x10240xf32, #tpu.memory_space<vmem>>[vector<16xi32>, vector<16xi32>], vector<16xf32>,
      tpu.vector_store_idx %arg10[%broadcast_in_dim3A_23, %get3A_73], %gather3A_76 {add = true} : memref<4x10240xf32, #tpu.memory_space<vmem>>[vector<16xi32>, vector<16xi32>], vector<16xf32>,
      %gather3A_77 = tpu.vector_load_idx %arg9[%broadcast_in_dim3A_25, %get3A_71] : memref<4x10240xf32, #tpu.memory_space<vmem>>[vector<16xi32>, vector<16xi32>], vector<16xf32>,
      tpu.vector_store_idx %arg10[%broadcast_in_dim3A_25, %get3A_73], %gather3A_77 {add = true} : memref<4x10240xf32, #tpu.memory_space<vmem>>[vector<16xi32>, vector<16xi32>], vector<16xf32>,
    }
    %scan3A_30 = arith.constant 314 : i32
    "tpu.region"() ({
      %run_scoped3A = tpu.sem_alloc : memref<!tpu.dma_semaphore, #tpu.memory_space<semaphore_mem>>
      %dma_start3A = arith.constant 0 : i32
      %dma_start3A_31 = arith.constant 0 : i32
      %dma_start3A_32 = tpu.memref_slice %arg6[%add3A, %dma_start3A, %dma_start3A_31] : memref<32x4x10240xf32, #tpu.memory_space<hbm>> -> memref<1x4x10240xf32, #tpu.memory_space<hbm>>
      %dma_start3A_33 = tpu.memref_squeeze %dma_start3A_32 : memref<1x4x10240xf32, #tpu.memory_space<hbm>> -> memref<4x10240xf32, #tpu.memory_space<hbm>>
      %dma_start3A_34 = arith.constant 0 : i32
      %dma_start3A_35 = arith.constant 0 : i32
      %dma_start3A_36 = tpu.memref_slice %arg6[%add3A, %dma_start3A_34, %dma_start3A_35] : memref<32x4x10240xf32, #tpu.memory_space<hbm>> -> memref<1x4x10240xf32, #tpu.memory_space<hbm>>
      %dma_start3A_37 = tpu.memref_squeeze %dma_start3A_36 : memref<1x4x10240xf32, #tpu.memory_space<hbm>> -> memref<4x10240xf32, #tpu.memory_space<hbm>>
      tpu.enqueue_dma source(%arg10 : memref<4x10240xf32, #tpu.memory_space<vmem>>) target(%dma_start3A_37 : memref<4x10240xf32, #tpu.memory_space<hbm>>) target_semaphore(%run_scoped3A : memref<!tpu.dma_semaphore, #tpu.memory_space<semaphore_mem>>)
      %dma_wait3A = arith.constant 0 : i32
      %dma_wait3A_38 = arith.constant 0 : i32
      %dma_wait3A_39 = tpu.memref_slice %arg6[%add3A, %dma_wait3A, %dma_wait3A_38] : memref<32x4x10240xf32, #tpu.memory_space<hbm>> -> memref<1x4x10240xf32, #tpu.memory_space<hbm>>
      %dma_wait3A_40 = tpu.memref_squeeze %dma_wait3A_39 : memref<1x4x10240xf32, #tpu.memory_space<hbm>> -> memref<4x10240xf32, #tpu.memory_space<hbm>>
      %dma_wait3A_41 = arith.constant 0 : i32
      %dma_wait3A_42 = arith.constant 0 : i32
      %dma_wait3A_43 = tpu.memref_slice %arg6[%add3A, %dma_wait3A_41, %dma_wait3A_42] : memref<32x4x10240xf32, #tpu.memory_space<hbm>> -> memref<1x4x10240xf32, #tpu.memory_space<hbm>>
      %dma_wait3A_44 = tpu.memref_squeeze %dma_wait3A_43 : memref<1x4x10240xf32, #tpu.memory_space<hbm>> -> memref<4x10240xf32, #tpu.memory_space<hbm>>
      tpu.wait_dma2 semaphore(%run_scoped3A : memref<!tpu.dma_semaphore, #tpu.memory_space<semaphore_mem>>) src(%arg10 : memref<4x10240xf32, #tpu.memory_space<vmem>>) dst(%dma_wait3A_44 : memref<4x10240xf32, #tpu.memory_space<hbm>>)
      tpu.yield
    }) : () -> ()
    return
  }
}

#map = affine_map<(d0, d1) -> (0, 0)>
#map1 = affine_map<(d0, d1) -> (0)>
module attributes {stable_mosaic.version = 14 : i64} {
  func.func @_sc_deg_body(%arg0: i32, %arg1: i32, %arg2: memref<32x20096xi32, #tpu.memory_space<hbm>>, %arg3: memref<10240xf32, #tpu.memory_space<hbm>>, %arg4: memref<32x10240xf32, #tpu.memory_space<hbm>>, %arg5: memref<20096xi32, #tpu.memory_space<vmem>>, %arg6: memref<10240xf32, #tpu.memory_space<vmem>>) attributes {dimension_semantics = [#tpu.dimension_semantics<core_parallel>, #tpu.dimension_semantics<subcore_parallel>], iteration_bounds = array<i64: 2, 16>, scalar_prefetch = 0 : i64, scratch_operands = 2 : i64, tpu.core_type = #tpu.core_type<sc_vector_subcore>, window_params = [{transform_indices = #map}, {transform_indices = #map1}, {transform_indices = #map}]} {
    %mul3A = arith.constant 16 : i32
    %mul3A_0 = arith.muli %arg0, %mul3A : i32
    %add3A = arith.addi %mul3A_0, %arg1 : i32
    "tpu.region"() ({
      %run_scoped3A = tpu.sem_alloc : memref<!tpu.dma_semaphore, #tpu.memory_space<semaphore_mem>>
      %dma_start3A = arith.constant 0 : i32
      %dma_start3A_7 = tpu.memref_slice %arg2[%add3A, %dma_start3A] : memref<32x20096xi32, #tpu.memory_space<hbm>> -> memref<1x20096xi32, #tpu.memory_space<hbm>>
      %dma_start3A_8 = tpu.memref_squeeze %dma_start3A_7 : memref<1x20096xi32, #tpu.memory_space<hbm>> -> memref<20096xi32, #tpu.memory_space<hbm>>
      %dma_start3A_9 = arith.constant 0 : i32
      %dma_start3A_10 = tpu.memref_slice %arg2[%add3A, %dma_start3A_9] : memref<32x20096xi32, #tpu.memory_space<hbm>> -> memref<1x20096xi32, #tpu.memory_space<hbm>>
      %dma_start3A_11 = tpu.memref_squeeze %dma_start3A_10 : memref<1x20096xi32, #tpu.memory_space<hbm>> -> memref<20096xi32, #tpu.memory_space<hbm>>
      tpu.enqueue_dma source(%dma_start3A_11 : memref<20096xi32, #tpu.memory_space<hbm>>) target(%arg5 : memref<20096xi32, #tpu.memory_space<vmem>>) target_semaphore(%run_scoped3A : memref<!tpu.dma_semaphore, #tpu.memory_space<semaphore_mem>>)
      %dma_wait3A = arith.constant 0 : i32
      %dma_wait3A_12 = tpu.memref_slice %arg2[%add3A, %dma_wait3A] : memref<32x20096xi32, #tpu.memory_space<hbm>> -> memref<1x20096xi32, #tpu.memory_space<hbm>>
      %dma_wait3A_13 = tpu.memref_squeeze %dma_wait3A_12 : memref<1x20096xi32, #tpu.memory_space<hbm>> -> memref<20096xi32, #tpu.memory_space<hbm>>
      %dma_wait3A_14 = arith.constant 0 : i32
      %dma_wait3A_15 = tpu.memref_slice %arg2[%add3A, %dma_wait3A_14] : memref<32x20096xi32, #tpu.memory_space<hbm>> -> memref<1x20096xi32, #tpu.memory_space<hbm>>
      %dma_wait3A_16 = tpu.memref_squeeze %dma_wait3A_15 : memref<1x20096xi32, #tpu.memory_space<hbm>> -> memref<20096xi32, #tpu.memory_space<hbm>>
      tpu.wait_dma2 semaphore(%run_scoped3A : memref<!tpu.dma_semaphore, #tpu.memory_space<semaphore_mem>>) src(%dma_wait3A_16 : memref<20096xi32, #tpu.memory_space<hbm>>) dst(%arg5 : memref<20096xi32, #tpu.memory_space<vmem>>)
      tpu.yield
    }) : () -> ()
    "tpu.region"() ({
      %run_scoped3A = tpu.sem_alloc : memref<!tpu.dma_semaphore, #tpu.memory_space<semaphore_mem>>
      tpu.enqueue_dma source(%arg3 : memref<10240xf32, #tpu.memory_space<hbm>>) target(%arg6 : memref<10240xf32, #tpu.memory_space<vmem>>) target_semaphore(%run_scoped3A : memref<!tpu.dma_semaphore, #tpu.memory_space<semaphore_mem>>)
      tpu.wait_dma2 semaphore(%run_scoped3A : memref<!tpu.dma_semaphore, #tpu.memory_space<semaphore_mem>>) src(%arg3 : memref<10240xf32, #tpu.memory_space<hbm>>) dst(%arg6 : memref<10240xf32, #tpu.memory_space<vmem>>)
      tpu.yield
    }) : () -> ()
    %broadcast_in_dim3A = arith.constant 1.000000e+00 : f32
    %broadcast_in_dim3A_1 = vector.broadcast %broadcast_in_dim3A : f32 to vector<16xf32>
    %scan3A = arith.constant 0 : i32
    %scan3A_2 = arith.constant 0 : i32
    %scan3A_3 = arith.constant 314 : i32
    %scan3A_4 = arith.addi %scan3A_2, %scan3A_3 : i32
    %scan3A_5 = arith.constant 1 : i32
    scf.for %scan3A_7 = %scan3A_2 to %scan3A_4 step %scan3A_5  : i32 {
      %mul3A_8 = arith.constant 64 : i32
      %mul3A_9 = arith.muli %scan3A_7, %mul3A_8 : i32
      %add3A_10 = arith.constant 0 : i32
      %add3A_11 = arith.addi %mul3A_9, %add3A_10 : i32
      %get3A = arith.index_cast %add3A_11 : i32 to index
      %get3A_12 = tpu.vector_load %arg5[%get3A] {strides = array<i32>} : memref<20096xi32, #tpu.memory_space<vmem>>, vector<16xi32>,
      tpu.vector_store_idx %arg6[%get3A_12], %broadcast_in_dim3A_1 {add = true} : memref<10240xf32, #tpu.memory_space<vmem>>[vector<16xi32>], vector<16xf32>,
      %mul3A_13 = arith.constant 64 : i32
      %mul3A_14 = arith.muli %scan3A_7, %mul3A_13 : i32
      %add3A_15 = arith.constant 16 : i32
      %add3A_16 = arith.addi %mul3A_14, %add3A_15 : i32
      %get3A_17 = arith.index_cast %add3A_16 : i32 to index
      %get3A_18 = tpu.vector_load %arg5[%get3A_17] {strides = array<i32>} : memref<20096xi32, #tpu.memory_space<vmem>>, vector<16xi32>,
      tpu.vector_store_idx %arg6[%get3A_18], %broadcast_in_dim3A_1 {add = true} : memref<10240xf32, #tpu.memory_space<vmem>>[vector<16xi32>], vector<16xf32>,
      %mul3A_19 = arith.constant 64 : i32
      %mul3A_20 = arith.muli %scan3A_7, %mul3A_19 : i32
      %add3A_21 = arith.constant 32 : i32
      %add3A_22 = arith.addi %mul3A_20, %add3A_21 : i32
      %get3A_23 = arith.index_cast %add3A_22 : i32 to index
      %get3A_24 = tpu.vector_load %arg5[%get3A_23] {strides = array<i32>} : memref<20096xi32, #tpu.memory_space<vmem>>, vector<16xi32>,
      tpu.vector_store_idx %arg6[%get3A_24], %broadcast_in_dim3A_1 {add = true} : memref<10240xf32, #tpu.memory_space<vmem>>[vector<16xi32>], vector<16xf32>,
      %mul3A_25 = arith.constant 64 : i32
      %mul3A_26 = arith.muli %scan3A_7, %mul3A_25 : i32
      %add3A_27 = arith.constant 48 : i32
      %add3A_28 = arith.addi %mul3A_26, %add3A_27 : i32
      %get3A_29 = arith.index_cast %add3A_28 : i32 to index
      %get3A_30 = tpu.vector_load %arg5[%get3A_29] {strides = array<i32>} : memref<20096xi32, #tpu.memory_space<vmem>>, vector<16xi32>,
      tpu.vector_store_idx %arg6[%get3A_30], %broadcast_in_dim3A_1 {add = true} : memref<10240xf32, #tpu.memory_space<vmem>>[vector<16xi32>], vector<16xf32>,
    }
    %scan3A_6 = arith.constant 314 : i32
    "tpu.region"() ({
      %run_scoped3A = tpu.sem_alloc : memref<!tpu.dma_semaphore, #tpu.memory_space<semaphore_mem>>
      %dma_start3A = arith.constant 0 : i32
      %dma_start3A_7 = tpu.memref_slice %arg4[%add3A, %dma_start3A] : memref<32x10240xf32, #tpu.memory_space<hbm>> -> memref<1x10240xf32, #tpu.memory_space<hbm>>
      %dma_start3A_8 = tpu.memref_squeeze %dma_start3A_7 : memref<1x10240xf32, #tpu.memory_space<hbm>> -> memref<10240xf32, #tpu.memory_space<hbm>>
      %dma_start3A_9 = arith.constant 0 : i32
      %dma_start3A_10 = tpu.memref_slice %arg4[%add3A, %dma_start3A_9] : memref<32x10240xf32, #tpu.memory_space<hbm>> -> memref<1x10240xf32, #tpu.memory_space<hbm>>
      %dma_start3A_11 = tpu.memref_squeeze %dma_start3A_10 : memref<1x10240xf32, #tpu.memory_space<hbm>> -> memref<10240xf32, #tpu.memory_space<hbm>>
      tpu.enqueue_dma source(%arg6 : memref<10240xf32, #tpu.memory_space<vmem>>) target(%dma_start3A_11 : memref<10240xf32, #tpu.memory_space<hbm>>) target_semaphore(%run_scoped3A : memref<!tpu.dma_semaphore, #tpu.memory_space<semaphore_mem>>)
      %dma_wait3A = arith.constant 0 : i32
      %dma_wait3A_12 = tpu.memref_slice %arg4[%add3A, %dma_wait3A] : memref<32x10240xf32, #tpu.memory_space<hbm>> -> memref<1x10240xf32, #tpu.memory_space<hbm>>
      %dma_wait3A_13 = tpu.memref_squeeze %dma_wait3A_12 : memref<1x10240xf32, #tpu.memory_space<hbm>> -> memref<10240xf32, #tpu.memory_space<hbm>>
      %dma_wait3A_14 = arith.constant 0 : i32
      %dma_wait3A_15 = tpu.memref_slice %arg4[%add3A, %dma_wait3A_14] : memref<32x10240xf32, #tpu.memory_space<hbm>> -> memref<1x10240xf32, #tpu.memory_space<hbm>>
      %dma_wait3A_16 = tpu.memref_squeeze %dma_wait3A_15 : memref<1x10240xf32, #tpu.memory_space<hbm>> -> memref<10240xf32, #tpu.memory_space<hbm>>
      tpu.wait_dma2 semaphore(%run_scoped3A : memref<!tpu.dma_semaphore, #tpu.memory_space<semaphore_mem>>) src(%arg6 : memref<10240xf32, #tpu.memory_space<vmem>>) dst(%dma_wait3A_16 : memref<10240xf32, #tpu.memory_space<hbm>>)
      tpu.yield
    }) : () -> ()
    return
  }
}

module attributes {stable_mosaic.version = 14 : i64} {
  func.func @_tc1_body(%arg0: i32, %arg1: memref<2048x128xf32, #tpu.memory_space<vmem>>, %arg2: memref<3x128xf32, #tpu.memory_space<vmem>>, %arg3: memref<8x2048xf32, #tpu.memory_space<vmem>>, %arg4: memref<3x2048xf32, #tpu.memory_space<vmem>>, %arg5: memref<1x2048xf32, #tpu.memory_space<vmem>>) attributes {dimension_semantics = [#tpu.dimension_semantics<arbitrary>], iteration_bounds = array<i64: 20>, scalar_prefetch = 0 : i64, scratch_operands = 0 : i64, tpu.core_type = #tpu.core_type<tc>, window_params = [{transform_indices = @transform_0, window_bounds = array<i64: 2048, 128>}, {pipeline_mode = #tpu.pipeline_mode<synchronous>, transform_indices = @transform_1, window_bounds = array<i64: 3, 128>}, {transform_indices = @transform_2, window_bounds = array<i64: 8, 2048>}, {transform_indices = @transform_3, window_bounds = array<i64: 3, 2048>}, {transform_indices = @transform_4, window_bounds = array<i64: 1, 2048>}]} {
    %get3A = arith.constant 0 : index
    %get3A_0 = arith.constant 0 : index
    %get3A_1 = vector.load %arg3[%get3A, %get3A_0] : memref<8x2048xf32, #tpu.memory_space<vmem>>, vector<8x2048xf32>
    %reduce_sum3A = arith.constant dense<0.000000e+00> : vector<2048xf32>
    %reduce_sum3A_2 = vector.multi_reduction <add>, %get3A_1, %reduce_sum3A [0] : vector<8x2048xf32> to vector<2048xf32>
    %reshape3A = vector.shape_cast %reduce_sum3A_2 : vector<2048xf32> to vector<1x2048xf32>
    %add3A = arith.constant 1.000000e+00 : f32
    %add3A_3 = vector.broadcast %add3A : f32 to vector<1x2048xf32>
    %add3A_4 = arith.addf %add3A_3, %reshape3A : vector<1x2048xf32>
    %rsqrt3A = math.rsqrt %add3A_4 : vector<1x2048xf32>
    %get3A_5 = arith.constant 0 : index
    %get3A_6 = arith.constant 0 : index
    %get3A_7 = vector.load %arg2[%get3A_5, %get3A_6] : memref<3x128xf32, #tpu.memory_space<vmem>>, vector<3x128xf32>
    %get3A_8 = arith.constant 0 : index
    %get3A_9 = arith.constant 0 : index
    %get3A_10 = vector.load %arg1[%get3A_8, %get3A_9] : memref<2048x128xf32, #tpu.memory_space<vmem>>, vector<2048x128xf32>
    %dot_general3A = arith.constant dense<0.000000e+00> : vector<3x2048xf32>
    %dot_general3A_11 = tpu.matmul %get3A_7, %get3A_10, %dot_general3A {dimension_numbers = #tpu.dot_dimension_numbers<[1], [1], [0], [0], [0, 0, 1, 0], [], []>, transpose_lhs_hint = false} : vector<3x128xf32>, vector<2048x128xf32>, vector<3x2048xf32> -> vector<3x2048xf32>
    %mul3A = vector.broadcast %rsqrt3A : vector<1x2048xf32> to vector<3x2048xf32>
    %mul3A_12 = arith.mulf %dot_general3A_11, %mul3A : vector<3x2048xf32>
    %swap3A = arith.constant 0 : index
    %swap3A_13 = arith.constant 0 : index
    %swap3A_14 = vector.load %arg4[%swap3A, %swap3A_13] : memref<3x2048xf32, #tpu.memory_space<vmem>>, vector<3x2048xf32>
    tpu.vector_store %arg4[%swap3A, %swap3A_13], %mul3A_12 {strides = array<i32>} : memref<3x2048xf32, #tpu.memory_space<vmem>>, vector<3x2048xf32>,
    %swap3A_15 = arith.constant 0 : index
    %swap3A_16 = arith.constant 0 : index
    %swap3A_17 = vector.load %arg5[%swap3A_15, %swap3A_16] : memref<1x2048xf32, #tpu.memory_space<vmem>>, vector<1x2048xf32>
    tpu.vector_store %arg5[%swap3A_15, %swap3A_16], %rsqrt3A {strides = array<i32>} : memref<1x2048xf32, #tpu.memory_space<vmem>>, vector<1x2048xf32>,
    return
  }
  func.func @transform_0(%arg0: i32) -> (i32, i32) {
    %c0_i32 = arith.constant 0 : i32
    %c0_i32_0 = arith.constant 0 : i32
    return %arg0, %c0_i32 : i32, i32
  }
  func.func @transform_1(%arg0: i32) -> (i32, i32) {
    %c0_i32 = arith.constant 0 : i32
    %c0_i32_0 = arith.constant 0 : i32
    %c0_i32_1 = arith.constant 0 : i32
    return %c0_i32, %c0_i32_0 : i32, i32
  }
  func.func @transform_2(%arg0: i32) -> (i32, i32) {
    %jit3A = arith.constant 5 : i32
    %div3A = arith.divsi %arg0, %jit3A : i32
    %sign3A = arith.constant 0 : i32
    %sign3A_0 = arith.cmpi sgt, %arg0, %sign3A : i32
    %sign3A_1 = arith.extui %sign3A_0 : i1 to i32
    %sign3A_2 = arith.constant 0 : i32
    %sign3A_3 = arith.cmpi slt, %arg0, %sign3A_2 : i32
    %sign3A_4 = arith.extui %sign3A_3 : i1 to i32
    %sign3A_5 = arith.subi %sign3A_1, %sign3A_4 : i32
    %sign3A_6 = arith.constant 0 : i32
    %sign3A_7 = arith.cmpi sgt, %jit3A, %sign3A_6 : i32
    %sign3A_8 = arith.extui %sign3A_7 : i1 to i32
    %sign3A_9 = arith.constant 0 : i32
    %sign3A_10 = arith.cmpi slt, %jit3A, %sign3A_9 : i32
    %sign3A_11 = arith.extui %sign3A_10 : i1 to i32
    %sign3A_12 = arith.subi %sign3A_8, %sign3A_11 : i32
    %ne3A = arith.cmpi ne, %sign3A_5, %sign3A_12 : i32
    %rem3A = arith.remsi %arg0, %jit3A : i32
    %ne3A_13 = arith.constant 0 : i32
    %ne3A_14 = arith.cmpi ne, %rem3A, %ne3A_13 : i32
    %and3A = arith.andi %ne3A, %ne3A_14 : i1
    %sub3A = arith.constant 1 : i32
    %sub3A_15 = arith.subi %div3A, %sub3A : i32
    %select_n3A = arith.select %and3A, %sub3A_15, %div3A : i32
    %jit3A_16 = arith.constant 5 : i32
    %eq3A = arith.constant 0 : i32
    %eq3A_17 = arith.cmpi eq, %jit3A_16, %eq3A : i32
    %jit3A_18 = arith.constant 1 : i32
    %select_n3A_19 = arith.select %eq3A_17, %jit3A_18, %jit3A_16 : i32
    %rem3A_20 = arith.remsi %arg0, %select_n3A_19 : i32
    %ne3A_21 = arith.constant 0 : i32
    %ne3A_22 = arith.cmpi ne, %rem3A_20, %ne3A_21 : i32
    %lt3A = arith.constant 0 : i32
    %lt3A_23 = arith.cmpi slt, %rem3A_20, %lt3A : i32
    %lt3A_24 = arith.constant 0 : i32
    %lt3A_25 = arith.cmpi slt, %select_n3A_19, %lt3A_24 : i32
    %ne3A_26 = arith.xori %lt3A_23, %lt3A_25 : i1
    %and3A_27 = arith.andi %ne3A_26, %ne3A_22 : i1
    %add3A = arith.addi %rem3A_20, %select_n3A_19 : i32
    %select_n3A_28 = arith.select %and3A_27, %add3A, %rem3A_20 : i32
    %c0_i32 = arith.constant 0 : i32
    return %select_n3A, %select_n3A_28 : i32, i32
  }
  func.func @transform_3(%arg0: i32) -> (i32, i32) {
    %c0_i32 = arith.constant 0 : i32
    %c0_i32_0 = arith.constant 0 : i32
    return %c0_i32, %arg0 : i32, i32
  }
  func.func @transform_4(%arg0: i32) -> (i32, i32) {
    %c0_i32 = arith.constant 0 : i32
    %c0_i32_0 = arith.constant 0 : i32
    return %c0_i32, %arg0 : i32, i32
  }
}

module attributes {stable_mosaic.version = 14 : i64} {
  func.func @_tc2_body(%arg0: i32, %arg1: memref<8x3x2048xf32, #tpu.memory_space<vmem>>, %arg2: memref<3x2048xf32, #tpu.memory_space<vmem>>, %arg3: memref<1x2048xf32, #tpu.memory_space<vmem>>, %arg4: memref<4x3xf32, #tpu.memory_space<vmem>>, %arg5: memref<3x1xf32, #tpu.memory_space<vmem>>, %arg6: memref<4x2048xf32, #tpu.memory_space<vmem>>) attributes {dimension_semantics = [#tpu.dimension_semantics<arbitrary>], iteration_bounds = array<i64: 20>, scalar_prefetch = 0 : i64, scratch_operands = 0 : i64, tpu.core_type = #tpu.core_type<tc>, window_params = [{transform_indices = @transform_0, window_bounds = array<i64: 8, 3, 2048>}, {transform_indices = @transform_1, window_bounds = array<i64: 3, 2048>}, {transform_indices = @transform_2, window_bounds = array<i64: 1, 2048>}, {pipeline_mode = #tpu.pipeline_mode<synchronous>, transform_indices = @transform_3, window_bounds = array<i64: 4, 3>}, {pipeline_mode = #tpu.pipeline_mode<synchronous>, transform_indices = @transform_4, window_bounds = array<i64: 3, 1>}, {transform_indices = @transform_5, window_bounds = array<i64: 4, 2048>}]} {
    %get3A = arith.constant 0 : index
    %get3A_0 = arith.constant 0 : index
    %get3A_1 = arith.constant 0 : index
    %get3A_2 = vector.load %arg1[%get3A, %get3A_0, %get3A_1] : memref<8x3x2048xf32, #tpu.memory_space<vmem>>, vector<8x3x2048xf32>
    %reduce_sum3A = arith.constant dense<0.000000e+00> : vector<3x2048xf32>
    %reduce_sum3A_3 = vector.multi_reduction <add>, %get3A_2, %reduce_sum3A [0] : vector<8x3x2048xf32> to vector<3x2048xf32>
    %get3A_4 = arith.constant 0 : index
    %get3A_5 = arith.constant 0 : index
    %get3A_6 = vector.load %arg3[%get3A_4, %get3A_5] : memref<1x2048xf32, #tpu.memory_space<vmem>>, vector<1x2048xf32>
    %get3A_7 = arith.constant 0 : index
    %get3A_8 = arith.constant 0 : index
    %get3A_9 = vector.load %arg2[%get3A_7, %get3A_8] : memref<3x2048xf32, #tpu.memory_space<vmem>>, vector<3x2048xf32>
    %add3A = arith.addf %get3A_9, %reduce_sum3A_3 : vector<3x2048xf32>
    %mul3A = vector.broadcast %get3A_6 : vector<1x2048xf32> to vector<3x2048xf32>
    %mul3A_10 = arith.mulf %mul3A, %add3A : vector<3x2048xf32>
    %get3A_11 = arith.constant 0 : index
    %get3A_12 = arith.constant 0 : index
    %get3A_13 = vector.load %arg5[%get3A_11, %get3A_12] : memref<3x1xf32, #tpu.memory_space<vmem>>, vector<3x1xf32>
    %add3A_14 = vector.broadcast %get3A_13 : vector<3x1xf32> to vector<3x2048xf32>
    %add3A_15 = arith.addf %mul3A_10, %add3A_14 : vector<3x2048xf32>
    %max3A = arith.constant 0.000000e+00 : f32
    %max3A_16 = vector.broadcast %max3A : f32 to vector<3x2048xf32>
    %max3A_17 = arith.maximumf %add3A_15, %max3A_16 : vector<3x2048xf32>
    %get3A_18 = arith.constant 0 : index
    %get3A_19 = arith.constant 0 : index
    %get3A_20 = vector.load %arg4[%get3A_18, %get3A_19] : memref<4x3xf32, #tpu.memory_space<vmem>>, vector<4x3xf32>
    %dot_general3A = arith.constant dense<0.000000e+00> : vector<4x2048xf32>
    %dot_general3A_21 = tpu.matmul %get3A_20, %max3A_17, %dot_general3A {dimension_numbers = #tpu.dot_dimension_numbers<[1], [0], [0], [1], [0, 0, 1, 1], [], []>, transpose_lhs_hint = false} : vector<4x3xf32>, vector<3x2048xf32>, vector<4x2048xf32> -> vector<4x2048xf32>
    %jit3A = arith.constant 5 : i32
    %eq3A = arith.constant 0 : i32
    %eq3A_22 = arith.cmpi eq, %jit3A, %eq3A : i32
    %jit3A_23 = arith.constant 1 : i32
    %select_n3A = arith.select %eq3A_22, %jit3A_23, %jit3A : i32
    %rem3A = arith.remsi %arg0, %select_n3A : i32
    %ne3A = arith.constant 0 : i32
    %ne3A_24 = arith.cmpi ne, %rem3A, %ne3A : i32
    %lt3A = arith.constant 0 : i32
    %lt3A_25 = arith.cmpi slt, %rem3A, %lt3A : i32
    %lt3A_26 = arith.constant 0 : i32
    %lt3A_27 = arith.cmpi slt, %select_n3A, %lt3A_26 : i32
    %ne3A_28 = arith.xori %lt3A_25, %lt3A_27 : i1
    %and3A = arith.andi %ne3A_28, %ne3A_24 : i1
    %add3A_29 = arith.addi %rem3A, %select_n3A : i32
    %select_n3A_30 = arith.select %and3A, %add3A_29, %rem3A : i32
    %mul3A_31 = arith.constant 2048 : i32
    %mul3A_32 = arith.muli %select_n3A_30, %mul3A_31 : i32
    %iota3A = tpu.iota {dimensions = array<i32: 1>} : vector<1x2048xi32>
    %add3A_33 = vector.broadcast %mul3A_32 : i32 to vector<1x2048xi32>
    %add3A_34 = arith.addi %add3A_33, %iota3A : vector<1x2048xi32>
    %lt3A_35 = arith.constant 10000 : i32
    %lt3A_36 = vector.broadcast %lt3A_35 : i32 to vector<1x2048xi32>
    %lt3A_37 = arith.cmpi slt, %add3A_34, %lt3A_36 : vector<1x2048xi32>
    %mul3A_38 = vector.broadcast %get3A_6 : vector<1x2048xf32> to vector<4x2048xf32>
    %mul3A_39 = arith.mulf %dot_general3A_21, %mul3A_38 : vector<4x2048xf32>
    %jit3A_40 = arith.constant 0.000000e+00 : f32
    %broadcast_in_dim3A = vector.shape_cast %lt3A_37 : vector<1x2048xi1> to vector<1x2048xi1>
    %broadcast_in_dim3A_41 = vector.broadcast %broadcast_in_dim3A : vector<1x2048xi1> to vector<4x2048xi1>
    %broadcast_in_dim3A_42 = vector.broadcast %jit3A_40 : f32 to vector<4x2048xf32>
    %select_n3A_43 = arith.select %broadcast_in_dim3A_41, %mul3A_39, %broadcast_in_dim3A_42 : vector<4x2048xi1>, vector<4x2048xf32>
    %swap3A = arith.constant 0 : index
    %swap3A_44 = arith.constant 0 : index
    %swap3A_45 = vector.load %arg6[%swap3A, %swap3A_44] : memref<4x2048xf32, #tpu.memory_space<vmem>>, vector<4x2048xf32>
    tpu.vector_store %arg6[%swap3A, %swap3A_44], %select_n3A_43 {strides = array<i32>} : memref<4x2048xf32, #tpu.memory_space<vmem>>, vector<4x2048xf32>,
    return
  }
  func.func @transform_0(%arg0: i32) -> (i32, i32, i32) {
    %jit3A = arith.constant 5 : i32
    %div3A = arith.divsi %arg0, %jit3A : i32
    %sign3A = arith.constant 0 : i32
    %sign3A_0 = arith.cmpi sgt, %arg0, %sign3A : i32
    %sign3A_1 = arith.extui %sign3A_0 : i1 to i32
    %sign3A_2 = arith.constant 0 : i32
    %sign3A_3 = arith.cmpi slt, %arg0, %sign3A_2 : i32
    %sign3A_4 = arith.extui %sign3A_3 : i1 to i32
    %sign3A_5 = arith.subi %sign3A_1, %sign3A_4 : i32
    %sign3A_6 = arith.constant 0 : i32
    %sign3A_7 = arith.cmpi sgt, %jit3A, %sign3A_6 : i32
    %sign3A_8 = arith.extui %sign3A_7 : i1 to i32
    %sign3A_9 = arith.constant 0 : i32
    %sign3A_10 = arith.cmpi slt, %jit3A, %sign3A_9 : i32
    %sign3A_11 = arith.extui %sign3A_10 : i1 to i32
    %sign3A_12 = arith.subi %sign3A_8, %sign3A_11 : i32
    %ne3A = arith.cmpi ne, %sign3A_5, %sign3A_12 : i32
    %rem3A = arith.remsi %arg0, %jit3A : i32
    %ne3A_13 = arith.constant 0 : i32
    %ne3A_14 = arith.cmpi ne, %rem3A, %ne3A_13 : i32
    %and3A = arith.andi %ne3A, %ne3A_14 : i1
    %sub3A = arith.constant 1 : i32
    %sub3A_15 = arith.subi %div3A, %sub3A : i32
    %select_n3A = arith.select %and3A, %sub3A_15, %div3A : i32
    %jit3A_16 = arith.constant 5 : i32
    %eq3A = arith.constant 0 : i32
    %eq3A_17 = arith.cmpi eq, %jit3A_16, %eq3A : i32
    %jit3A_18 = arith.constant 1 : i32
    %select_n3A_19 = arith.select %eq3A_17, %jit3A_18, %jit3A_16 : i32
    %rem3A_20 = arith.remsi %arg0, %select_n3A_19 : i32
    %ne3A_21 = arith.constant 0 : i32
    %ne3A_22 = arith.cmpi ne, %rem3A_20, %ne3A_21 : i32
    %lt3A = arith.constant 0 : i32
    %lt3A_23 = arith.cmpi slt, %rem3A_20, %lt3A : i32
    %lt3A_24 = arith.constant 0 : i32
    %lt3A_25 = arith.cmpi slt, %select_n3A_19, %lt3A_24 : i32
    %ne3A_26 = arith.xori %lt3A_23, %lt3A_25 : i1
    %and3A_27 = arith.andi %ne3A_26, %ne3A_22 : i1
    %add3A = arith.addi %rem3A_20, %select_n3A_19 : i32
    %select_n3A_28 = arith.select %and3A_27, %add3A, %rem3A_20 : i32
    %c0_i32 = arith.constant 0 : i32
    %c0_i32_29 = arith.constant 0 : i32
    return %select_n3A, %c0_i32, %select_n3A_28 : i32, i32, i32
  }
  func.func @transform_1(%arg0: i32) -> (i32, i32) {
    %c0_i32 = arith.constant 0 : i32
    %c0_i32_0 = arith.constant 0 : i32
    return %c0_i32, %arg0 : i32, i32
  }
  func.func @transform_2(%arg0: i32) -> (i32, i32) {
    %c0_i32 = arith.constant 0 : i32
    %c0_i32_0 = arith.constant 0 : i32
    return %c0_i32, %arg0 : i32, i32
  }
  func.func @transform_3(%arg0: i32) -> (i32, i32) {
    %c0_i32 = arith.constant 0 : i32
    %c0_i32_0 = arith.constant 0 : i32
    %c0_i32_1 = arith.constant 0 : i32
    return %c0_i32, %c0_i32_0 : i32, i32
  }
  func.func @transform_4(%arg0: i32) -> (i32, i32) {
    %c0_i32 = arith.constant 0 : i32
    %c0_i32_0 = arith.constant 0 : i32
    %c0_i32_1 = arith.constant 0 : i32
    return %c0_i32, %c0_i32_0 : i32, i32
  }
  func.func @transform_5(%arg0: i32) -> (i32, i32) {
    %c0_i32 = arith.constant 0 : i32
    %c0_i32_0 = arith.constant 0 : i32
    return %c0_i32, %arg0 : i32, i32
  }
}

module attributes {stable_mosaic.version = 14 : i64} {
  func.func @_tc3_body(%arg0: i32, %arg1: memref<8x4x2048xf32, #tpu.memory_space<vmem>>, %arg2: memref<4x2048xf32, #tpu.memory_space<vmem>>, %arg3: memref<1x2048xf32, #tpu.memory_space<vmem>>, %arg4: memref<4x1xf32, #tpu.memory_space<vmem>>, %arg5: memref<4x2048xf32, #tpu.memory_space<vmem>>) attributes {dimension_semantics = [#tpu.dimension_semantics<arbitrary>], iteration_bounds = array<i64: 20>, scalar_prefetch = 0 : i64, scratch_operands = 0 : i64, tpu.core_type = #tpu.core_type<tc>, window_params = [{transform_indices = @transform_0, window_bounds = array<i64: 8, 4, 2048>}, {transform_indices = @transform_1, window_bounds = array<i64: 4, 2048>}, {transform_indices = @transform_2, window_bounds = array<i64: 1, 2048>}, {pipeline_mode = #tpu.pipeline_mode<synchronous>, transform_indices = @transform_3, window_bounds = array<i64: 4, 1>}, {transform_indices = @transform_4, window_bounds = array<i64: 4, 2048>}]} {
    %get3A = arith.constant 0 : index
    %get3A_0 = arith.constant 0 : index
    %get3A_1 = arith.constant 0 : index
    %get3A_2 = vector.load %arg1[%get3A, %get3A_0, %get3A_1] : memref<8x4x2048xf32, #tpu.memory_space<vmem>>, vector<8x4x2048xf32>
    %reduce_sum3A = arith.constant dense<0.000000e+00> : vector<4x2048xf32>
    %reduce_sum3A_3 = vector.multi_reduction <add>, %get3A_2, %reduce_sum3A [0] : vector<8x4x2048xf32> to vector<4x2048xf32>
    %get3A_4 = arith.constant 0 : index
    %get3A_5 = arith.constant 0 : index
    %get3A_6 = vector.load %arg3[%get3A_4, %get3A_5] : memref<1x2048xf32, #tpu.memory_space<vmem>>, vector<1x2048xf32>
    %get3A_7 = arith.constant 0 : index
    %get3A_8 = arith.constant 0 : index
    %get3A_9 = vector.load %arg2[%get3A_7, %get3A_8] : memref<4x2048xf32, #tpu.memory_space<vmem>>, vector<4x2048xf32>
    %add3A = arith.addf %get3A_9, %reduce_sum3A_3 : vector<4x2048xf32>
    %mul3A = vector.broadcast %get3A_6 : vector<1x2048xf32> to vector<4x2048xf32>
    %mul3A_10 = arith.mulf %mul3A, %add3A : vector<4x2048xf32>
    %get3A_11 = arith.constant 0 : index
    %get3A_12 = arith.constant 0 : index
    %get3A_13 = vector.load %arg4[%get3A_11, %get3A_12] : memref<4x1xf32, #tpu.memory_space<vmem>>, vector<4x1xf32>
    %add3A_14 = vector.broadcast %get3A_13 : vector<4x1xf32> to vector<4x2048xf32>
    %add3A_15 = arith.addf %mul3A_10, %add3A_14 : vector<4x2048xf32>
    %swap3A = arith.constant 0 : index
    %swap3A_16 = arith.constant 0 : index
    %swap3A_17 = vector.load %arg5[%swap3A, %swap3A_16] : memref<4x2048xf32, #tpu.memory_space<vmem>>, vector<4x2048xf32>
    tpu.vector_store %arg5[%swap3A, %swap3A_16], %add3A_15 {strides = array<i32>} : memref<4x2048xf32, #tpu.memory_space<vmem>>, vector<4x2048xf32>,
    return
  }
  func.func @transform_0(%arg0: i32) -> (i32, i32, i32) {
    %jit3A = arith.constant 5 : i32
    %div3A = arith.divsi %arg0, %jit3A : i32
    %sign3A = arith.constant 0 : i32
    %sign3A_0 = arith.cmpi sgt, %arg0, %sign3A : i32
    %sign3A_1 = arith.extui %sign3A_0 : i1 to i32
    %sign3A_2 = arith.constant 0 : i32
    %sign3A_3 = arith.cmpi slt, %arg0, %sign3A_2 : i32
    %sign3A_4 = arith.extui %sign3A_3 : i1 to i32
    %sign3A_5 = arith.subi %sign3A_1, %sign3A_4 : i32
    %sign3A_6 = arith.constant 0 : i32
    %sign3A_7 = arith.cmpi sgt, %jit3A, %sign3A_6 : i32
    %sign3A_8 = arith.extui %sign3A_7 : i1 to i32
    %sign3A_9 = arith.constant 0 : i32
    %sign3A_10 = arith.cmpi slt, %jit3A, %sign3A_9 : i32
    %sign3A_11 = arith.extui %sign3A_10 : i1 to i32
    %sign3A_12 = arith.subi %sign3A_8, %sign3A_11 : i32
    %ne3A = arith.cmpi ne, %sign3A_5, %sign3A_12 : i32
    %rem3A = arith.remsi %arg0, %jit3A : i32
    %ne3A_13 = arith.constant 0 : i32
    %ne3A_14 = arith.cmpi ne, %rem3A, %ne3A_13 : i32
    %and3A = arith.andi %ne3A, %ne3A_14 : i1
    %sub3A = arith.constant 1 : i32
    %sub3A_15 = arith.subi %div3A, %sub3A : i32
    %select_n3A = arith.select %and3A, %sub3A_15, %div3A : i32
    %jit3A_16 = arith.constant 5 : i32
    %eq3A = arith.constant 0 : i32
    %eq3A_17 = arith.cmpi eq, %jit3A_16, %eq3A : i32
    %jit3A_18 = arith.constant 1 : i32
    %select_n3A_19 = arith.select %eq3A_17, %jit3A_18, %jit3A_16 : i32
    %rem3A_20 = arith.remsi %arg0, %select_n3A_19 : i32
    %ne3A_21 = arith.constant 0 : i32
    %ne3A_22 = arith.cmpi ne, %rem3A_20, %ne3A_21 : i32
    %lt3A = arith.constant 0 : i32
    %lt3A_23 = arith.cmpi slt, %rem3A_20, %lt3A : i32
    %lt3A_24 = arith.constant 0 : i32
    %lt3A_25 = arith.cmpi slt, %select_n3A_19, %lt3A_24 : i32
    %ne3A_26 = arith.xori %lt3A_23, %lt3A_25 : i1
    %and3A_27 = arith.andi %ne3A_26, %ne3A_22 : i1
    %add3A = arith.addi %rem3A_20, %select_n3A_19 : i32
    %select_n3A_28 = arith.select %and3A_27, %add3A, %rem3A_20 : i32
    %c0_i32 = arith.constant 0 : i32
    %c0_i32_29 = arith.constant 0 : i32
    return %select_n3A, %c0_i32, %select_n3A_28 : i32, i32, i32
  }
  func.func @transform_1(%arg0: i32) -> (i32, i32) {
    %c0_i32 = arith.constant 0 : i32
    %c0_i32_0 = arith.constant 0 : i32
    return %c0_i32, %arg0 : i32, i32
  }
  func.func @transform_2(%arg0: i32) -> (i32, i32) {
    %c0_i32 = arith.constant 0 : i32
    %c0_i32_0 = arith.constant 0 : i32
    return %c0_i32, %arg0 : i32, i32
  }
  func.func @transform_3(%arg0: i32) -> (i32, i32) {
    %c0_i32 = arith.constant 0 : i32
    %c0_i32_0 = arith.constant 0 : i32
    %c0_i32_1 = arith.constant 0 : i32
    return %c0_i32, %c0_i32_0 : i32, i32
  }
  func.func @transform_4(%arg0: i32) -> (i32, i32) {
    %c0_i32 = arith.constant 0 : i32
    %c0_i32_0 = arith.constant 0 : i32
    return %c0_i32, %arg0 : i32, i32
  }
}

</mosaic_0001>

<sc_bundles>
// kernel: kernel.11.cloned.1.call-start
scs
__scs_entry_jumppad:
0x0: {  	(pc) =	sbr.rel $0x88, $3  }
0x1: {  	(tag) =	ssettag $0x0;
	lr =	simm.s32 $0x1  }
0x2: {  	[smem:$0x3F9B] =	sst lr;
	_ =	strace $0xD0000000  }
0x3: {  	_ = 	snop  }
0x4: {  	_ = 	snop  }
0x5: {  	_ = 	snop  }
0x6: {  	_ = 	snop  }
0x7: {  	_ = 	snop  }
__scs_overlays_trampoline_lowered:
0x8: {  	[smem:$0x3FAA] =	sst s0  }
0x9: {  	[smem:$0x3FAB] =	sst s1  }
0xa: {  	[smem:$0x3FAC] =	sst s2  }
0xb: {  	[smem:$0x3FAD] =	sst s3  }
0xc: {  	[smem:$0x3FAE] =	sst s4  }
0xd: {  	[smem:$0x3FAF] =	sst s5  }
0xe: {  	[smem:$0x3FB0] =	sst s6  }
0xf: {  	[smem:$0x3FB1] =	sst s7  }
0x10: {  	[smem:$0x3FB2] =	sst s8  }
0x11: {  	[smem:$0x3FB3] =	sst s9;
	s0 =	simm.s32 @!p0 $0x0  }
0x12: {  	s1 =	sld [smem:$0x3F99];
	s0 =	simm.s32 @p0 $0x1  }
0x13: {  	[smem:$0x3FB4] =	sst s0;
	s0 =	simm.s32 @!p1 $0x0  }
0x14: {  	s2 =	sld [smem:$0x3F98];
	s0 =	simm.s32 @p1 $0x1  }
0x15: {  	[smem:$0x3FB5] =	sst s0;
	s0 =	simm.s32 @!p2 $0x0  }
0x16: {  	s3 =	sld [smem:$0x3FDB];
	s0 =	simm.s32 @p2 $0x1  }
0x17: {  	s4 =	simm.s32 $0x1BF5;
	[smem:$0x3FB7] =	sst s0  }
0x18: {  	s0 =	sld [smem:$0x3F9A];
	_ =	swait.ge [sflag:s4], $0x0  }
0x19: {  	s7 =	sld [smem:$0x3F9B]  }
0x1a: {  	s8 =	sadd.s32 $0xFFFFE003, lr  }
0x1b: {  	s9 =	sadd.s32 $0xFFFFFEF7, lr;
	s5 =	simm.s32 $0xFFFFFFFF;
	p2 =	slt.u32 s8, $0xFFFFF086  }
0x1c: {  	p1 =	slt.u32 s9, $0xF7A;
	s5 =	simm.s32 @!p2 $0x0  }
0x1d: {  	s5 =	simm.s32 @p1 $0x1;
	p0 =	seq.s32 s7, s2  }
0x1e: {  	s7 =	smul.u32 @!p0 $0xF7A, s2;
	p2 =	seq.s32 @!p0 s5, $0x0  }
0x1f: {  	s9 =	smul.u32 $0xF7A, s1;
	s8 =	simm.s32 @!p0 $0x1BF5;
	p2 =	por !p2, p0  }
0x20: {  	[sflag:s8] =	ssyncset.s32 @!p0 $0xFFFFF086;
	s6 =	sadd.s32 @!p0 s3, s7;
	s7 =	simm.s32 @!p0 $0x108  }
0x21: {  	s3 =	sadd.s32 s3, s9;
	s6 =	sadd.s32 @!p0 $0x88, s6;
	s7 =	simm.s32 @p2 $0x1082  }
0x22: {  	[simem:s7], [sflag:s8] =	dma.local @!p0 [hbm:s6], $0xF7A  }
0x23: {  	s9 =	sor.u32 $0xD0000000, s2;
	s6 =	simm.s32 $0x108;
	_ =	swait.ge @!p0 [sflag:s8], $0x0  }
0x24: {  	s3 =	sadd.s32 $0x88, s3;
	s6 =	simm.s32 @!p1 $0x1082;
	[sflag:s4] =	ssyncset.s32 $0xFFFFF086  }
0x25: {  	[simem:s6], [sflag:s4] =	dma.local [hbm:s3], $0xF7A  }
0x26: {  	[smem:$0x3F9B] =	sst s1;
	(tag) =	ssettag s2;
	_ =	strace s9  }
0x27: {  	s1 =	sld [smem:$0x3FAB]  }
0x28: {  	s2 =	sld [smem:$0x3FAC]  }
0x29: {  	s4 =	sld [smem:$0x3FAE]  }
0x2a: {  	p0 =	seq.s32 s5, $0x0;
	s5 =	sld [smem:$0x3FAF]  }
0x2b: {  	s6 =	sld [smem:$0x3FB0]  }
0x2c: {  	s7 =	sld [smem:$0x3FB1]  }
0x2d: {  	s3 =	simm.s32 $0x108;
	s8 =	sld [smem:$0x3FB2]  }
0x2e: {  	s3 =	simm.s32 @!p0 $0x1082;
	s9 =	sld [smem:$0x3FB3]  }
0x2f: {  	lr =	sadd.s32 s0, s3;
	s0 =	sld [smem:$0x3FAA]  }
0x30: {  	s3 =	sld [smem:$0x3FAD]  }
0x31: {  	[smem:$0x3FB6] =	sst s10  }
0x32: {  	s10 =	sld [smem:$0x3FB4];
	_ =	sdelay $0x3  }
0x33: {  	p0 =	seq.s32 s10, $0x1;
	s10 =	sld [smem:$0x3FB6];
	_ =	sdelay $0x3  }
0x34: {  	[smem:$0x3FB6] =	sst s10  }
0x35: {  	s10 =	sld [smem:$0x3FB5];
	_ =	sdelay $0x3  }
0x36: {  	p1 =	seq.s32 s10, $0x1;
	s10 =	sld [smem:$0x3FB6];
	_ =	sdelay $0x3  }
0x37: {  	[smem:$0x3FB6] =	sst s10  }
0x38: {  	s10 =	sld [smem:$0x3FB7]  }
0x39: {  	_ = 	snop;
	(pc) =	sbr.ind lr, $3  }
0x3a: {  	_ = 	snop  }
0x3b: {  	_ = 	snop  }
0x3c: {  	p2 =	seq.s32 s10, $0x1;
	s10 =	sld [smem:$0x3FB6]  }
0x3d: {  	_ =	shalt  }
0x3e: {  	_ =	shalt  }
0x3f: {  	_ =	shalt  }
0x40: {  	_ =	shalt  }
0x41: {  	_ =	shalt  }
0x42: {  	_ =	shalt  }
0x43: {  	_ =	shalt  }
0x44: {  	_ =	shalt  }
0x45: {  	_ =	shalt  }
0x46: {  	_ =	shalt  }
0x47: {  	_ =	shalt  }
0x48: {  	_ =	shalt  }
0x49: {  	_ =	shalt  }
0x4a: {  	_ =	shalt  }
0x4b: {  	_ =	shalt  }
0x4c: {  	_ =	shalt  }
0x4d: {  	_ =	shalt  }
0x4e: {  	_ =	shalt  }
0x4f: {  	_ =	shalt  }
0x50: {  	_ =	shalt  }
0x51: {  	_ =	shalt  }
0x52: {  	_ =	shalt  }
0x53: {  	_ =	shalt  }
0x54: {  	_ =	shalt  }
0x55: {  	_ =	shalt  }
0x56: {  	_ =	shalt  }
0x57: {  	_ =	shalt  }
0x58: {  	_ =	shalt  }
0x59: {  	_ =	shalt  }
0x5a: {  	_ =	shalt  }
0x5b: {  	_ =	shalt  }
0x5c: {  	_ =	shalt  }
0x5d: {  	_ =	shalt  }
0x5e: {  	_ =	shalt  }
0x5f: {  	_ =	shalt  }
0x60: {  	_ =	shalt  }
0x61: {  	_ =	shalt  }
0x62: {  	_ =	shalt  }
0x63: {  	_ =	shalt  }
0x64: {  	_ =	shalt  }
0x65: {  	_ =	shalt  }
0x66: {  	_ =	shalt  }
0x67: {  	_ =	shalt  }
0x68: {  	_ =	shalt  }
0x69: {  	_ =	shalt  }
0x6a: {  	_ =	shalt  }
0x6b: {  	_ =	shalt  }
0x6c: {  	_ =	shalt  }
0x6d: {  	_ =	shalt  }
0x6e: {  	_ =	shalt  }
0x6f: {  	_ =	shalt  }
0x70: {  	_ =	shalt  }
0x71: {  	_ =	shalt  }
0x72: {  	_ =	shalt  }
0x73: {  	_ =	shalt  }
0x74: {  	_ =	shalt  }
0x75: {  	_ =	shalt  }
0x76: {  	_ =	shalt  }
0x77: {  	_ =	shalt  }
0x78: {  	_ =	shalt  }
0x79: {  	_ =	shalt  }
0x7a: {  	_ =	shalt  }
0x7b: {  	_ =	shalt  }
0x7c: {  	_ =	shalt  }
0x7d: {  	_ =	shalt  }
0x7e: {  	_ =	shalt  }
0x7f: {  	_ =	shalt  }
0x80: {  	_ =	shalt  }
0x81: {  	_ =	shalt  }
0x82: {  	_ =	shalt  }
0x83: {  	_ =	shalt  }
0x84: {  	_ =	shalt  }
0x85: {  	_ =	shalt  }
0x86: {  	_ =	shalt  }
0x87: {  	_ =	shalt  }
.Lfunc_end0:
.L_simem_size_0:
called_computation.1_lowered:
.L_overlay_start_0:
0x88: {  	s2 =	sld [smem:$0x3FD9]  }
0x89: {  	s3 =	sld [smem:$0x3FFE];
	_ =	sdelay $0x1  }
0x8a: {  	s1 =	srdreg.scid  }
0x8b: {  	s0 =	sand.u32 $0x1, s1  }
0x8c: {  	s17 =	sshll.u32 s0, $0xA;
	s2 =	sadd.s32 s3, s2  }
0x8d: {  	s2 =	sadd.s32 s2, s17  }
0x8e: {  	[smem:$0x3FC2] =	sst s2  }
0x8f: {  	_ = 	snop  }
0x90: {  	s2 =	sld [smem:$0x3FD0];
	(tm) =	ssettm $0x1  }
0x91: {  	s18 =	sld [smem:$0x3FFB];
	_ =	sdelay $0x3  }
0x92: {  	_ =	strace s18  }
0x93: {  	s3 =	sld [smem:$0x3FFC];
	_ =	sdelay $0x3  }
0x94: {  	_ =	strace s3  }
0x95: {  	s3 =	sld [smem:$0x3FFD];
	_ =	sdelay $0x3  }
0x96: {  	_ =	strace s3  }
0x97: {  	_ =	strace $0x8FFFFFFF  }
0x98: {  	s19 =	sld [smem:$0x3FDB];
	_ =	sdelay $0x1  }
0x99: {  	s4 =	simm.s32 $_scs_section_size  }
0x9a: {  	s5 =	simm.s32 $_size__tile_overlayer_lowered;
	s6 =	simm.s32 $_tile_overlayer_lowered  }
0x9b: {  	s22 =	simm.s32 $0x1BFF;
	s21 =	sshll.u32 s6, $0x1;
	s3 =	sadd.s32 s4, s19  }
0x9c: {  	s7 =	simm.s32 $0x0;
	s20 =	sshll.u32 s5, $0x1;
	s5 =	sadd.s32 s21, s3  }
0x9d: {  	[timem:s7], [sflag:s22] =	dma.local [hbm:s5], s20  }
0x9e: {  	_ =	swait.ge [sflag:s22], s20  }
0x9f: {  	s4 =	ssub.s32 $0x0, s20;
	[sflag:s22] =	ssyncset.done $0x0  }
0xa0: {  	[sflag:s22] =	ssyncadd.s32 s4;
	_ =	sdelay $0x1  }
0xa1: {  	s23 =	simm.s32 $0x1B8B  }
0xa2: {  	_ =	swait.ge [sflag:s23], $0x1  }
0xa3: {  	[sflag:s23] =	ssyncset.done $0x0  }
0xa4: {  	s25 =	simm.s32 $0x1B8E;
	s24 =	sld [smem:$0x3FFE];
	[sflag:s23] =	ssyncadd.s32 $0xFFFFFFFF  }
0xa5: {  	s26 =	simm.s32 $execute0_lowered;
	[smem:$0x3FD2] =	sst s25  }
0xa6: {  	s5 =	sshll.u32 s26, $0x1;
	_ =	strace $0x80000049;
	[dreg:$0x1] =	wrdreg $0xFFFFFFFF  }
0xa7: {  	s28 =	simm.s32 $_size_execute0_lowered;
	s3 =	sadd.s32 s3, s5;
	[dreg:$0x0] =	wrdreg $0x0  }
0xa8: {  	s5 =	sshll.u32 s28, $0x1;
	[dreg:$0x2] =	wrdreg s3  }
0xa9: {  	[dreg:$0x3] =	wrdreg s5  }
0xaa: {  	[dreg:$0x4] =	wrdreg $0xC0  }
0xab: {  	_ =	task [dreg:s7], $0x5FFFF  }
0xac: {  	[dreg:$0x1] =	wrdreg $0xFFFFFFFF  }
0xad: {  	[dreg:$0x0] =	wrdreg $0x60  }
0xae: {  	[dreg:$0x2] =	wrdreg s2  }
0xaf: {  	[dreg:$0x3] =	wrdreg s24  }
0xb0: {  	[dreg:$0x4] =	wrdreg $0x9  }
0xb1: {  	_ =	task.clear_ibuf [dreg:s7], $0x5FFFF;
	_ =	strace $0x90000049  }
0xb2: {  	s29 =	simm.s32 $0x9;
	_ =	strace $0x8000004B  }
0xb3: {  	_ =	swait.ge [sflag:s29], $0x1  }
0xb4: {  	[sflag:s29] =	ssyncadd.s32 $0xFFFFFFFF  }
0xb5: {  	_ =	strace $0x9000004B  }
0xb6: {  	_ =	sfence  }
0xb7: {  	s30 =	sld [smem:$0x0];
	_ =	sdelay $0x2  }
0xb8: {  	s31 =	sshll.u32 s1, $0xD;
	s1 =	sshrl.u32 s1, $0x2  }
0xb9: {  	s3 =	sand.u32 $0x4000, s31;
	s1 =	sadd.s32 s1, s30  }
0xba: {  	s0 =	sor.u32 s3, s0;
	s1 =	sshll.u32 s1, $0x11  }
0xbb: {  	s0 =	sor.u32 s1, s0  }
0xbc: {  	s0 =	sadd.s32 $0x8F2B, s0  }
0xbd: {  	[sflag:s0] =	ssyncadd.remote.s32 $0x1  }
0xbe: {  	_ =	sfence.sel $0xFFFF  }
0xbf: {  	[dreg:$0x0] =	wrdreg $0xFFFFFFFF;
	(pc) =	sbr.abs _section_cstart, $3  }
0xc0: {  	[dreg:$0x1] =	wrdreg $0xFFFFFFFF  }
0xc1: {  	_ =	task.clear_ibuf [dreg:s7], $0x2FFFF;
	_ =	strace $0x9FFFFFFF  }
0xc2: {  	(tm) =	ssettm $0x7FFFFFFF  }
0xc3: {  	_ =	shalt  }
tec
execute0_lowered:
.L_overlay_start_1:
0x0: {  	(tag) =	ssettag $0x1  }
0x1: {  	s7 =	rddreg [dreg:$0x0]  }
0x2: {  	s0 =	srdreg.scid;
	s4 =	rddreg [dreg:$0x1]  }
0x3: {  	s1 =	stileid.u32;
	s8 =	simm.s32 $0x1;
	s12 =	simm.s32 $0x2800  }
0x4: {  	s13 =	simm.s32 $0xA000;
	s14 =	simm.s32 $0x9D00;
	s3 =	sand.u32 $0x1, s0  }
0x5: {  	s15 =	simm.s32 $0x0;
	s6 =	sand.u32 $0x7, s1;
	s2 =	sshll.u32 s3, $0x4  }
0x6: {  	s0 =	rddreg [dreg:$0x2];
	p1 =	sne.s32 s6, $0x0;
	s5 =	sor.u32 s1, s2  }
0x7: {  	s10 =	ssub.s32 $0x2, s3;
	s3 =	sadd.s32 $0x16800, s4;
	p0 =	seq.s32 s5, $0x0  }
0x8: {  	s2 =	simm.s32 $0x0;
	s31 =	sshrl.u32 s10, $0x1;
	p0 =	por !p1, !p0  }
0x9: {  	[smem:$0x7FF] =	sst s2;
	s30 =	smul.u32 $0x9D0, s5;
	p0 =	por !p0, !p0  }
0xa: {  	s9 =	sshrl.u32 s5, $0x3;
	s5 =	smul.u32 $0xF00, s5;
	s8 =	simm.s32 @!p0 $0x0  }
0xb: {  	_ =	strace $0x8000004A;
	s6 =	sadd.s32 s30, s4;
	s8 =	ssub.s32 s9, s8  }
0xc: {  	s11 =	sadd.s32 s5, s4;
	s4 =	simm.s32 $0x1;
	s8 =	smul.u32 $0x2800, s8  }
0xd: {  	s5 =	sadd.s32 $0x2E00, s6;
	s6 =	sadd.s32 $0xC0800, s6;
	s9 =	ssub.s32 s10, s31  }
0xe: {  	s10 =	simm.s32 $0x4E80;
	s9 =	smax.u32 s9, $0x1;
	s8 =	sshrl.u32 s8, $0x3  }
0xf: {  	s7 =	sadd.s32 s7, s8;
	s8 =	sadd.s32 $0x17800, s11;
	s11 =	simm.s32 $0x11500  }
.LBB2_1:
0x10: {  	[tilespmem:s10], [sflag:$0x1] =	stream.linear.gather [hbm4b:s5+s2], $0x4E80, $0x38;
	[tilespmem:$0x18D00] =	vst v63  }
0x11: {  	_ =	swait.ge [sflag:s4], $0x4E80  }
0x12: {  	[sflag:s4] =	ssyncset.done $0x0  }
0x13: {  	[sflag:s4] =	ssyncadd.s32 $0xFFFFB180  }
0x14: {  	[tilespmem:s2], [sflag:$0x1] =	stream.linear.gather [hbm4b:s6+s2], $0x4E80, $0x38;
	[tilespmem:$0x18D00] =	vst v63  }
0x15: {  	_ =	swait.ge [sflag:s4], $0x4E80  }
0x16: {  	[sflag:s4] =	ssyncset.done $0x0  }
0x17: {  	[sflag:s4] =	ssyncadd.s32 $0xFFFFB180  }
0x18: {  	[tilespmem:s11], [sflag:$0x1] =	stream.linear.gather [hbm4b:s3+s2], $0x7800, $0x38;
	[tilespmem:$0x18D00] =	vst v63  }
0x19: {  	_ =	swait.ge [sflag:s4], $0x7800  }
0x1a: {  	[sflag:s4] =	ssyncset.done $0x0  }
0x1b: {  	[sflag:s4] =	ssyncadd.s32 $0xFFFF8800  }
0x1c: {  	[tilespmem:s14], [sflag:$0x1] =	stream.strided.gather [hbm4b:s7+s12], $0x7800, s13, s12, $0x38;
	[tilespmem:$0x18D00] =	vst v63  }
0x1d: {  	_ =	swait.ge [sflag:s4], $0x7800  }
0x1e: {  	[sflag:s4] =	ssyncset.done $0x0  }
0x1f: {  	s16 =	simm.s32 $0x0;
	[sflag:s4] =	ssyncadd.s32 $0xFFFF8800  }
.LBB2_2:
0x20: {  	s17 =	sshra.s32 s16, $0x2  }
0x21: {  	v0 =	vld [tilespmem:s17+$0x0];
	_ =	sdelay $0x4  }
0x22: {  	v1 =	vld [tilespmem:s17+$0x4E80];
	_ =	sdelay $0x2  }
0x23: {  	v2 =	vld.idx.msk [tilespmem:v0+s14+$0x0], $0xffff  }
0x24: {  	v3 =	vadd.s32 $0x2800, v0;
	_ =	sdelay $0x3  }
0x25: {  	[tilespmem:v1+s11+$0x0] =	vst.idx.add.f32.msk $0xffff, v2  }
0x26: {  	v57 =	vadd.s32 $0x2800, v1;
	v2 =	vld.idx.msk [tilespmem:v3+s14+$0x0], $0xffff  }
0x27: {  	v0 =	vadd.s32 $0x5000, v0;
	_ =	sdelay $0x3  }
0x28: {  	[tilespmem:v57+s11+$0x0] =	vst.idx.add.f32.msk $0xffff, v2  }
0x29: {  	v1 =	vadd.s32 $0x5000, v1;
	v0 =	vld.idx.msk [tilespmem:v0+s14+$0x0], $0xffff;
	_ =	sdelay $0x4  }
0x2a: {  	[tilespmem:v1+s11+$0x0] =	vst.idx.add.f32.msk $0xffff, v0  }
0x2b: {  	v0 =	vld [tilespmem:s17+$0x10];
	_ =	sdelay $0x4  }
0x2c: {  	v1 =	vld [tilespmem:s17+$0x4E90];
	_ =	sdelay $0x2  }
0x2d: {  	v2 =	vld.idx.msk [tilespmem:v0+s14+$0x0], $0xffff  }
0x2e: {  	v58 =	vadd.s32 $0x2800, v0;
	_ =	sdelay $0x3  }
0x2f: {  	[tilespmem:v1+s11+$0x0] =	vst.idx.add.f32.msk $0xffff, v2  }
0x30: {  	v59 =	vadd.s32 $0x2800, v1;
	v2 =	vld.idx.msk [tilespmem:v58+s14+$0x0], $0xffff  }
0x31: {  	v0 =	vadd.s32 $0x5000, v0;
	_ =	sdelay $0x3  }
0x32: {  	[tilespmem:v59+s11+$0x0] =	vst.idx.add.f32.msk $0xffff, v2  }
0x33: {  	v1 =	vadd.s32 $0x5000, v1;
	v0 =	vld.idx.msk [tilespmem:v0+s14+$0x0], $0xffff;
	_ =	sdelay $0x4  }
0x34: {  	[tilespmem:v1+s11+$0x0] =	vst.idx.add.f32.msk $0xffff, v0  }
0x35: {  	v0 =	vld [tilespmem:s17+$0x20];
	_ =	sdelay $0x4  }
0x36: {  	v1 =	vld [tilespmem:s17+$0x4EA0];
	_ =	sdelay $0x2  }
0x37: {  	v2 =	vld.idx.msk [tilespmem:v0+s14+$0x0], $0xffff  }
0x38: {  	v60 =	vadd.s32 $0x2800, v0;
	_ =	sdelay $0x3  }
0x39: {  	[tilespmem:v1+s11+$0x0] =	vst.idx.add.f32.msk $0xffff, v2  }
0x3a: {  	v61 =	vadd.s32 $0x2800, v1;
	v2 =	vld.idx.msk [tilespmem:v60+s14+$0x0], $0xffff  }
0x3b: {  	v0 =	vadd.s32 $0x5000, v0;
	_ =	sdelay $0x3  }
0x3c: {  	[tilespmem:v61+s11+$0x0] =	vst.idx.add.f32.msk $0xffff, v2  }
0x3d: {  	v1 =	vadd.s32 $0x5000, v1;
	v0 =	vld.idx.msk [tilespmem:v0+s14+$0x0], $0xffff;
	_ =	sdelay $0x4  }
0x3e: {  	[tilespmem:v1+s11+$0x0] =	vst.idx.add.f32.msk $0xffff, v0  }
0x3f: {  	v0 =	vld [tilespmem:s17+$0x30];
	_ =	sdelay $0x4  }
0x40: {  	v1 =	vld [tilespmem:s17+$0x4EB0];
	_ =	sdelay $0x2  }
0x41: {  	v2 =	vld.idx.msk [tilespmem:v0+s14+$0x0], $0xffff  }
0x42: {  	v62 =	vadd.s32 $0x2800, v0;
	_ =	sdelay $0x3  }
0x43: {  	[tilespmem:v1+s11+$0x0] =	vst.idx.add.f32.msk $0xffff, v2  }
0x44: {  	v63 =	vadd.s32 $0x2800, v1;
	v2 =	vld.idx.msk [tilespmem:v62+s14+$0x0], $0xffff  }
0x45: {  	v0 =	vadd.s32 $0x5000, v0;
	_ =	sdelay $0x3  }
0x46: {  	[tilespmem:v63+s11+$0x0] =	vst.idx.add.f32.msk $0xffff, v2  }
0x47: {  	p0 =	sne.s32 s16, $0x13900;
	v1 =	vadd.s32 $0x5000, v1;
	v0 =	vld.idx.msk [tilespmem:v0+s14+$0x0], $0xffff  }
.Ltmp0:
0x48: {  	_ = 	snop;
	(pc) =	sbr.rel @p0 .LBB2_2-.Ltmp0, $2  }
0x49: {  	_ =	sdelay $0x2  }
0x4a: {  	s16 =	sadd.s32 $0x100, s16;
	[tilespmem:v1+s11+$0x0] =	vst.idx.add.f32.msk $0xffff, v0  }
0x4b: {  	s15 =	sadd.s32 $0x1, s15  }
0x4c: {  	p0 =	sne.s32 s15, s9  }
.Ltmp1:
0x4d: {  	_ = 	snop;
	(pc) =	sbr.rel @p0 .LBB2_1-.Ltmp1, $4  }
0x4e: {  	[hbm4b:s8+s2] =	stream.linear.scatter [tilespmem:s11], [sflag:$0x1], $0x7800, $0x38;
	[tilespmem:$0x18D00] =	vst v63  }
0x4f: {  	_ =	swait.ge [sflag:s4], $0x7800  }
0x50: {  	[sflag:s4] =	ssyncset.done $0x0  }
0x51: {  	[sflag:s4] =	ssyncadd.s32 $0xFFFF8800  }
0x52: {  	_ =	sfence.sel $0x180000  }
0x53: {  	[bflag:$0x0] =	sbarrier.arrive $0xFFFF  }
0x54: {  	p0 =	sne.s32 s1, $0x0;
	_ =	strace $0x9000004A  }
0x55: {  	s0 =	sadd.s32 @!p0 $0x100000, s0;
	[bflag:$0x2] =	sbarrier.arrive $0xFFFF  }
0x56: {  	[sflag:s0] =	ssyncadd.tile.s32 @!p0 $0x1;
	_ =	shalt  }
.Lfunc_end2:
_tile_overlayer_lowered:
.L_overlay_start_2:
0x57: {  	(tag) =	ssettag $0x2  }
0x58: {  	s0 =	rddreg [dreg:$0x0];
	s2 =	stileid.u32  }
0x59: {  	s1 =	rddreg [dreg:$0x1];
	p0 =	sne.s32 s2, $0x0  }
0x5a: {  	s3 =	rddreg [dreg:$0x2];
	[bflag:$0x3] =	sbarrier.arrive $0xFFFF;
	s2 =	simm.s32 @!p0 $0x1C01  }
0x5b: {  	[timem:s3], [sflag:s2] =	dma.local @!p0 [hbm:s0], s1  }
0x5c: {  	s0 =	simm.s32 @!p0 $0x1  }
0x5d: {  	_ =	swait.ge @!p0 [sflag:s0], s1  }
0x5e: {  	s1 =	ssub.s32 @!p0 $0x0, s1;
	[sflag:s0] =	ssyncset.done @!p0 $0x0  }
0x5f: {  	[sflag:s0] =	ssyncadd.s32 @!p0 s1  }
0x60: {  	[bflag:$0x3] =	sbarrier.arrive $0xFFFF  }
0x61: {  	_ =	shalt  }

// kernel: kernel.14.cloned.1.call-start
scs
__scs_entry_jumppad:
0x0: {  	(pc) =	sbr.rel $0x88, $3  }
0x1: {  	(tag) =	ssettag $0x0;
	lr =	simm.s32 $0x1  }
0x2: {  	[smem:$0x3F9B] =	sst lr;
	_ =	strace $0xD0000000  }
0x3: {  	_ = 	snop  }
0x4: {  	_ = 	snop  }
0x5: {  	_ = 	snop  }
0x6: {  	_ = 	snop  }
0x7: {  	_ = 	snop  }
__scs_overlays_trampoline_lowered:
0x8: {  	[smem:$0x3FAA] =	sst s0  }
0x9: {  	[smem:$0x3FAB] =	sst s1  }
0xa: {  	[smem:$0x3FAC] =	sst s2  }
0xb: {  	[smem:$0x3FAD] =	sst s3  }
0xc: {  	[smem:$0x3FAE] =	sst s4  }
0xd: {  	[smem:$0x3FAF] =	sst s5  }
0xe: {  	[smem:$0x3FB0] =	sst s6  }
0xf: {  	[smem:$0x3FB1] =	sst s7  }
0x10: {  	[smem:$0x3FB2] =	sst s8  }
0x11: {  	[smem:$0x3FB3] =	sst s9;
	s0 =	simm.s32 @!p0 $0x0  }
0x12: {  	s1 =	sld [smem:$0x3F99];
	s0 =	simm.s32 @p0 $0x1  }
0x13: {  	[smem:$0x3FB4] =	sst s0;
	s0 =	simm.s32 @!p1 $0x0  }
0x14: {  	s2 =	sld [smem:$0x3F98];
	s0 =	simm.s32 @p1 $0x1  }
0x15: {  	[smem:$0x3FB5] =	sst s0;
	s0 =	simm.s32 @!p2 $0x0  }
0x16: {  	s3 =	sld [smem:$0x3FDB];
	s0 =	simm.s32 @p2 $0x1  }
0x17: {  	s4 =	simm.s32 $0x1BF5;
	[smem:$0x3FB7] =	sst s0  }
0x18: {  	s0 =	sld [smem:$0x3F9A];
	_ =	swait.ge [sflag:s4], $0x0  }
0x19: {  	s7 =	sld [smem:$0x3F9B]  }
0x1a: {  	s8 =	sadd.s32 $0xFFFFE003, lr  }
0x1b: {  	s9 =	sadd.s32 $0xFFFFFEF7, lr;
	s5 =	simm.s32 $0xFFFFFFFF;
	p2 =	slt.u32 s8, $0xFFFFF086  }
0x1c: {  	p1 =	slt.u32 s9, $0xF7A;
	s5 =	simm.s32 @!p2 $0x0  }
0x1d: {  	s5 =	simm.s32 @p1 $0x1;
	p0 =	seq.s32 s7, s2  }
0x1e: {  	s7 =	smul.u32 @!p0 $0xF7A, s2;
	p2 =	seq.s32 @!p0 s5, $0x0  }
0x1f: {  	s9 =	smul.u32 $0xF7A, s1;
	s8 =	simm.s32 @!p0 $0x1BF5;
	p2 =	por !p2, p0  }
0x20: {  	[sflag:s8] =	ssyncset.s32 @!p0 $0xFFFFF086;
	s6 =	sadd.s32 @!p0 s3, s7;
	s7 =	simm.s32 @!p0 $0x108  }
0x21: {  	s3 =	sadd.s32 s3, s9;
	s6 =	sadd.s32 @!p0 $0x88, s6;
	s7 =	simm.s32 @p2 $0x1082  }
0x22: {  	[simem:s7], [sflag:s8] =	dma.local @!p0 [hbm:s6], $0xF7A  }
0x23: {  	s9 =	sor.u32 $0xD0000000, s2;
	s6 =	simm.s32 $0x108;
	_ =	swait.ge @!p0 [sflag:s8], $0x0  }
0x24: {  	s3 =	sadd.s32 $0x88, s3;
	s6 =	simm.s32 @!p1 $0x1082;
	[sflag:s4] =	ssyncset.s32 $0xFFFFF086  }
0x25: {  	[simem:s6], [sflag:s4] =	dma.local [hbm:s3], $0xF7A  }
0x26: {  	[smem:$0x3F9B] =	sst s1;
	(tag) =	ssettag s2;
	_ =	strace s9  }
0x27: {  	s1 =	sld [smem:$0x3FAB]  }
0x28: {  	s2 =	sld [smem:$0x3FAC]  }
0x29: {  	s4 =	sld [smem:$0x3FAE]  }
0x2a: {  	p0 =	seq.s32 s5, $0x0;
	s5 =	sld [smem:$0x3FAF]  }
0x2b: {  	s6 =	sld [smem:$0x3FB0]  }
0x2c: {  	s7 =	sld [smem:$0x3FB1]  }
0x2d: {  	s3 =	simm.s32 $0x108;
	s8 =	sld [smem:$0x3FB2]  }
0x2e: {  	s3 =	simm.s32 @!p0 $0x1082;
	s9 =	sld [smem:$0x3FB3]  }
0x2f: {  	lr =	sadd.s32 s0, s3;
	s0 =	sld [smem:$0x3FAA]  }
0x30: {  	s3 =	sld [smem:$0x3FAD]  }
0x31: {  	[smem:$0x3FB6] =	sst s10  }
0x32: {  	s10 =	sld [smem:$0x3FB4];
	_ =	sdelay $0x3  }
0x33: {  	p0 =	seq.s32 s10, $0x1;
	s10 =	sld [smem:$0x3FB6];
	_ =	sdelay $0x3  }
0x34: {  	[smem:$0x3FB6] =	sst s10  }
0x35: {  	s10 =	sld [smem:$0x3FB5];
	_ =	sdelay $0x3  }
0x36: {  	p1 =	seq.s32 s10, $0x1;
	s10 =	sld [smem:$0x3FB6];
	_ =	sdelay $0x3  }
0x37: {  	[smem:$0x3FB6] =	sst s10  }
0x38: {  	s10 =	sld [smem:$0x3FB7]  }
0x39: {  	_ = 	snop;
	(pc) =	sbr.ind lr, $3  }
0x3a: {  	_ = 	snop  }
0x3b: {  	_ = 	snop  }
0x3c: {  	p2 =	seq.s32 s10, $0x1;
	s10 =	sld [smem:$0x3FB6]  }
0x3d: {  	_ =	shalt  }
0x3e: {  	_ =	shalt  }
0x3f: {  	_ =	shalt  }
0x40: {  	_ =	shalt  }
0x41: {  	_ =	shalt  }
0x42: {  	_ =	shalt  }
0x43: {  	_ =	shalt  }
0x44: {  	_ =	shalt  }
0x45: {  	_ =	shalt  }
0x46: {  	_ =	shalt  }
0x47: {  	_ =	shalt  }
0x48: {  	_ =	shalt  }
0x49: {  	_ =	shalt  }
0x4a: {  	_ =	shalt  }
0x4b: {  	_ =	shalt  }
0x4c: {  	_ =	shalt  }
0x4d: {  	_ =	shalt  }
0x4e: {  	_ =	shalt  }
0x4f: {  	_ =	shalt  }
0x50: {  	_ =	shalt  }
0x51: {  	_ =	shalt  }
0x52: {  	_ =	shalt  }
0x53: {  	_ =	shalt  }
0x54: {  	_ =	shalt  }
0x55: {  	_ =	shalt  }
0x56: {  	_ =	shalt  }
0x57: {  	_ =	shalt  }
0x58: {  	_ =	shalt  }
0x59: {  	_ =	shalt  }
0x5a: {  	_ =	shalt  }
0x5b: {  	_ =	shalt  }
0x5c: {  	_ =	shalt  }
0x5d: {  	_ =	shalt  }
0x5e: {  	_ =	shalt  }
0x5f: {  	_ =	shalt  }
0x60: {  	_ =	shalt  }
0x61: {  	_ =	shalt  }
0x62: {  	_ =	shalt  }
0x63: {  	_ =	shalt  }
0x64: {  	_ =	shalt  }
0x65: {  	_ =	shalt  }
0x66: {  	_ =	shalt  }
0x67: {  	_ =	shalt  }
0x68: {  	_ =	shalt  }
0x69: {  	_ =	shalt  }
0x6a: {  	_ =	shalt  }
0x6b: {  	_ =	shalt  }
0x6c: {  	_ =	shalt  }
0x6d: {  	_ =	shalt  }
0x6e: {  	_ =	shalt  }
0x6f: {  	_ =	shalt  }
0x70: {  	_ =	shalt  }
0x71: {  	_ =	shalt  }
0x72: {  	_ =	shalt  }
0x73: {  	_ =	shalt  }
0x74: {  	_ =	shalt  }
0x75: {  	_ =	shalt  }
0x76: {  	_ =	shalt  }
0x77: {  	_ =	shalt  }
0x78: {  	_ =	shalt  }
0x79: {  	_ =	shalt  }
0x7a: {  	_ =	shalt  }
0x7b: {  	_ =	shalt  }
0x7c: {  	_ =	shalt  }
0x7d: {  	_ =	shalt  }
0x7e: {  	_ =	shalt  }
0x7f: {  	_ =	shalt  }
0x80: {  	_ =	shalt  }
0x81: {  	_ =	shalt  }
0x82: {  	_ =	shalt  }
0x83: {  	_ =	shalt  }
0x84: {  	_ =	shalt  }
0x85: {  	_ =	shalt  }
0x86: {  	_ =	shalt  }
0x87: {  	_ =	shalt  }
.Lfunc_end0:
.L_simem_size_0:
called_computation.2_lowered:
.L_overlay_start_0:
0x88: {  	s2 =	sld [smem:$0x3FD9]  }
0x89: {  	s3 =	sld [smem:$0x3FFE];
	_ =	sdelay $0x1  }
0x8a: {  	s1 =	srdreg.scid  }
0x8b: {  	s0 =	sand.u32 $0x1, s1  }
0x8c: {  	s17 =	sshll.u32 s0, $0xA;
	s2 =	sadd.s32 s3, s2  }
0x8d: {  	s2 =	sadd.s32 s2, s17  }
0x8e: {  	[smem:$0x3FC2] =	sst s2  }
0x8f: {  	_ = 	snop  }
0x90: {  	s2 =	sld [smem:$0x3FD0];
	(tm) =	ssettm $0x1  }
0x91: {  	s18 =	sld [smem:$0x3FFB];
	_ =	sdelay $0x3  }
0x92: {  	_ =	strace s18  }
0x93: {  	s3 =	sld [smem:$0x3FFC];
	_ =	sdelay $0x3  }
0x94: {  	_ =	strace s3  }
0x95: {  	s3 =	sld [smem:$0x3FFD];
	_ =	sdelay $0x3  }
0x96: {  	_ =	strace s3  }
0x97: {  	_ =	strace $0x8FFFFFFF  }
0x98: {  	s19 =	sld [smem:$0x3FDB];
	_ =	sdelay $0x1  }
0x99: {  	s4 =	simm.s32 $_scs_section_size  }
0x9a: {  	s5 =	simm.s32 $_size__tile_overlayer_lowered;
	s6 =	simm.s32 $_tile_overlayer_lowered  }
0x9b: {  	s22 =	simm.s32 $0x1BFF;
	s21 =	sshll.u32 s6, $0x1;
	s3 =	sadd.s32 s4, s19  }
0x9c: {  	s7 =	simm.s32 $0x0;
	s20 =	sshll.u32 s5, $0x1;
	s5 =	sadd.s32 s21, s3  }
0x9d: {  	[timem:s7], [sflag:s22] =	dma.local [hbm:s5], s20  }
0x9e: {  	_ =	swait.ge [sflag:s22], s20  }
0x9f: {  	s4 =	ssub.s32 $0x0, s20;
	[sflag:s22] =	ssyncset.done $0x0  }
0xa0: {  	[sflag:s22] =	ssyncadd.s32 s4;
	_ =	sdelay $0x1  }
0xa1: {  	s23 =	simm.s32 $0x1B8B  }
0xa2: {  	_ =	swait.ge [sflag:s23], $0x1  }
0xa3: {  	[sflag:s23] =	ssyncset.done $0x0  }
0xa4: {  	s25 =	simm.s32 $0x1B8E;
	s24 =	sld [smem:$0x3FFE];
	[sflag:s23] =	ssyncadd.s32 $0xFFFFFFFF  }
0xa5: {  	s26 =	simm.s32 $execute0_lowered;
	[smem:$0x3FD2] =	sst s25  }
0xa6: {  	s5 =	sshll.u32 s26, $0x1;
	_ =	strace $0x8000004C;
	[dreg:$0x1] =	wrdreg $0xFFFFFFFF  }
0xa7: {  	s28 =	simm.s32 $_size_execute0_lowered;
	s3 =	sadd.s32 s3, s5;
	[dreg:$0x0] =	wrdreg $0x0  }
0xa8: {  	s5 =	sshll.u32 s28, $0x1;
	[dreg:$0x2] =	wrdreg s3  }
0xa9: {  	[dreg:$0x3] =	wrdreg s5  }
0xaa: {  	[dreg:$0x4] =	wrdreg $0xC0  }
0xab: {  	_ =	task [dreg:s7], $0x5FFFF  }
0xac: {  	[dreg:$0x1] =	wrdreg $0xFFFFFFFF  }
0xad: {  	[dreg:$0x0] =	wrdreg $0x60  }
0xae: {  	[dreg:$0x2] =	wrdreg s24  }
0xaf: {  	[dreg:$0x3] =	wrdreg s2  }
0xb0: {  	[dreg:$0x4] =	wrdreg $0x9  }
0xb1: {  	_ =	task.clear_ibuf [dreg:s7], $0x5FFFF;
	_ =	strace $0x9000004C  }
0xb2: {  	s29 =	simm.s32 $0x9;
	_ =	strace $0x8000004E  }
0xb3: {  	_ =	swait.ge [sflag:s29], $0x1  }
0xb4: {  	[sflag:s29] =	ssyncadd.s32 $0xFFFFFFFF  }
0xb5: {  	_ =	strace $0x9000004E  }
0xb6: {  	_ =	sfence  }
0xb7: {  	s30 =	sld [smem:$0x0];
	_ =	sdelay $0x2  }
0xb8: {  	s31 =	sshll.u32 s1, $0xD;
	s1 =	sshrl.u32 s1, $0x2  }
0xb9: {  	s3 =	sand.u32 $0x4000, s31;
	s1 =	sadd.s32 s1, s30  }
0xba: {  	s0 =	sor.u32 s3, s0;
	s1 =	sshll.u32 s1, $0x11  }
0xbb: {  	s0 =	sor.u32 s1, s0  }
0xbc: {  	s0 =	sadd.s32 $0x8F2B, s0  }
0xbd: {  	[sflag:s0] =	ssyncadd.remote.s32 $0x1  }
0xbe: {  	_ =	sfence.sel $0xFFFF  }
0xbf: {  	[dreg:$0x0] =	wrdreg $0xFFFFFFFF;
	(pc) =	sbr.abs _section_cstart, $3  }
0xc0: {  	[dreg:$0x1] =	wrdreg $0xFFFFFFFF  }
0xc1: {  	_ =	task.clear_ibuf [dreg:s7], $0x2FFFF;
	_ =	strace $0x9FFFFFFF  }
0xc2: {  	(tm) =	ssettm $0x7FFFFFFF  }
0xc3: {  	_ =	shalt  }
tec
execute0_lowered:
.L_overlay_start_1:
0x0: {  	(tag) =	ssettag $0x1  }
0x1: {  	s6 =	rddreg [dreg:$0x0]  }
0x2: {  	s0 =	srdreg.scid;
	s2 =	rddreg [dreg:$0x1]  }
0x3: {  	s11 =	simm.s32 $0x13D00;
	s12 =	simm.s32 $0x2800;
	s5 =	sand.u32 $0x1, s0  }
0x4: {  	s13 =	simm.s32 $0xA000;
	s0 =	stileid.u32;
	s1 =	sshll.u32 s5, $0x4  }
0x5: {  	s14 =	simm.s32 $0x9D00;
	s30 =	sand.u32 $0x7, s0;
	s4 =	sor.u32 s0, s1  }
0x6: {  	s15 =	simm.s32 $0x0;
	p1 =	sne.s32 s30, $0x0;
	p0 =	seq.s32 s4, $0x0  }
0x7: {  	s5 =	ssub.s32 $0x2, s5;
	s1 =	simm.s32 $0x1;
	p0 =	por !p1, !p0  }
0x8: {  	s31 =	sshrl.u32 s5, $0x1;
	s8 =	smul.u32 $0x9D0, s4;
	p0 =	por !p0, !p0  }
0x9: {  	s3 =	sshrl.u32 s4, $0x3;
	s9 =	smul.u32 $0x1400, s4;
	s1 =	simm.s32 @!p0 $0x0  }
0xa: {  	s4 =	simm.s32 $0x1;
	s10 =	ssub.s32 s5, s31;
	s7 =	ssub.s32 s3, s1  }
0xb: {  	s8 =	sadd.s32 s8, s6;
	s3 =	simm.s32 $0x0;
	s7 =	smul.u32 $0x2800, s7  }
0xc: {  	s9 =	sadd.s32 s9, s6;
	s5 =	sadd.s32 $0x2E00, s8;
	[smem:$0x7FF] =	sst s3  }
0xd: {  	s1 =	rddreg [dreg:$0x2];
	_ =	strace $0x8000004D;
	s7 =	sshrl.u32 s7, $0x3  }
0xe: {  	s7 =	sadd.s32 s7, s6;
	s6 =	sadd.s32 $0xC0800, s8;
	s8 =	sadd.s32 $0x1B800, s9  }
0xf: {  	s9 =	smax.u32 s10, $0x1;
	s10 =	simm.s32 $0x4E80;
	s7 =	sadd.s32 $0x16800, s7  }
.LBB2_1:
0x10: {  	[tilespmem:s10], [sflag:$0x1] =	stream.linear.gather [hbm4b:s5+s3], $0x4E80, $0x38;
	[tilespmem:$0x1DD00] =	vst v63  }
0x11: {  	_ =	swait.ge [sflag:s4], $0x4E80  }
0x12: {  	[sflag:s4] =	ssyncset.done $0x0  }
0x13: {  	[sflag:s4] =	ssyncadd.s32 $0xFFFFB180  }
0x14: {  	[tilespmem:s3], [sflag:$0x1] =	stream.linear.gather [hbm4b:s6+s3], $0x4E80, $0x38;
	[tilespmem:$0x1DD00] =	vst v63  }
0x15: {  	_ =	swait.ge [sflag:s4], $0x4E80  }
0x16: {  	[sflag:s4] =	ssyncset.done $0x0  }
0x17: {  	[sflag:s4] =	ssyncadd.s32 $0xFFFFB180  }
0x18: {  	[tilespmem:s11], [sflag:$0x1] =	stream.linear.gather [hbm4b:s2+s3], $0xA000, $0x38;
	[tilespmem:$0x1DD00] =	vst v63  }
0x19: {  	_ =	swait.ge [sflag:s4], $0xA000  }
0x1a: {  	[sflag:s4] =	ssyncset.done $0x0  }
0x1b: {  	[sflag:s4] =	ssyncadd.s32 $0xFFFF6000  }
0x1c: {  	[tilespmem:s14], [sflag:$0x1] =	stream.strided.gather [hbm4b:s7+s12], $0xA000, s13, s12, $0x38;
	[tilespmem:$0x1DD00] =	vst v63  }
0x1d: {  	_ =	swait.ge [sflag:s4], $0xA000  }
0x1e: {  	[sflag:s4] =	ssyncset.done $0x0  }
0x1f: {  	s16 =	simm.s32 $0x0;
	[sflag:s4] =	ssyncadd.s32 $0xFFFF6000  }
.LBB2_2:
0x20: {  	s17 =	sshra.s32 s16, $0x2  }
0x21: {  	v0 =	vld [tilespmem:s17+$0x0];
	_ =	sdelay $0x4  }
0x22: {  	v1 =	vld [tilespmem:s17+$0x4E80];
	_ =	sdelay $0x2  }
0x23: {  	v2 =	vld.idx.msk [tilespmem:v0+s14+$0x0], $0xffff  }
0x24: {  	v3 =	vadd.s32 $0x2800, v0;
	_ =	sdelay $0x3  }
0x25: {  	[tilespmem:v1+s11+$0x0] =	vst.idx.add.f32.msk $0xffff, v2  }
0x26: {  	v50 =	vadd.s32 $0x2800, v1;
	v2 =	vld.idx.msk [tilespmem:v3+s14+$0x0], $0xffff  }
0x27: {  	v4 =	vadd.s32 $0x5000, v0;
	_ =	sdelay $0x3  }
0x28: {  	[tilespmem:v50+s11+$0x0] =	vst.idx.add.f32.msk $0xffff, v2  }
0x29: {  	v51 =	vadd.s32 $0x5000, v1;
	v2 =	vld.idx.msk [tilespmem:v4+s14+$0x0], $0xffff  }
0x2a: {  	v0 =	vadd.s32 $0x7800, v0;
	_ =	sdelay $0x3  }
0x2b: {  	[tilespmem:v51+s11+$0x0] =	vst.idx.add.f32.msk $0xffff, v2  }
0x2c: {  	v1 =	vadd.s32 $0x7800, v1;
	v0 =	vld.idx.msk [tilespmem:v0+s14+$0x0], $0xffff;
	_ =	sdelay $0x4  }
0x2d: {  	[tilespmem:v1+s11+$0x0] =	vst.idx.add.f32.msk $0xffff, v0  }
0x2e: {  	v0 =	vld [tilespmem:s17+$0x10];
	_ =	sdelay $0x4  }
0x2f: {  	v1 =	vld [tilespmem:s17+$0x4E90];
	_ =	sdelay $0x2  }
0x30: {  	v2 =	vld.idx.msk [tilespmem:v0+s14+$0x0], $0xffff  }
0x31: {  	v52 =	vadd.s32 $0x2800, v0;
	_ =	sdelay $0x3  }
0x32: {  	[tilespmem:v1+s11+$0x0] =	vst.idx.add.f32.msk $0xffff, v2  }
0x33: {  	v53 =	vadd.s32 $0x2800, v1;
	v2 =	vld.idx.msk [tilespmem:v52+s14+$0x0], $0xffff  }
0x34: {  	v54 =	vadd.s32 $0x5000, v0;
	_ =	sdelay $0x3  }
0x35: {  	[tilespmem:v53+s11+$0x0] =	vst.idx.add.f32.msk $0xffff, v2  }
0x36: {  	v55 =	vadd.s32 $0x5000, v1;
	v2 =	vld.idx.msk [tilespmem:v54+s14+$0x0], $0xffff  }
0x37: {  	v0 =	vadd.s32 $0x7800, v0;
	_ =	sdelay $0x3  }
0x38: {  	[tilespmem:v55+s11+$0x0] =	vst.idx.add.f32.msk $0xffff, v2  }
0x39: {  	v1 =	vadd.s32 $0x7800, v1;
	v0 =	vld.idx.msk [tilespmem:v0+s14+$0x0], $0xffff;
	_ =	sdelay $0x4  }
0x3a: {  	[tilespmem:v1+s11+$0x0] =	vst.idx.add.f32.msk $0xffff, v0  }
0x3b: {  	v0 =	vld [tilespmem:s17+$0x20];
	_ =	sdelay $0x4  }
0x3c: {  	v1 =	vld [tilespmem:s17+$0x4EA0];
	_ =	sdelay $0x2  }
0x3d: {  	v2 =	vld.idx.msk [tilespmem:v0+s14+$0x0], $0xffff  }
0x3e: {  	v56 =	vadd.s32 $0x2800, v0;
	_ =	sdelay $0x3  }
0x3f: {  	[tilespmem:v1+s11+$0x0] =	vst.idx.add.f32.msk $0xffff, v2  }
0x40: {  	v57 =	vadd.s32 $0x2800, v1;
	v2 =	vld.idx.msk [tilespmem:v56+s14+$0x0], $0xffff  }
0x41: {  	v58 =	vadd.s32 $0x5000, v0;
	_ =	sdelay $0x3  }
0x42: {  	[tilespmem:v57+s11+$0x0] =	vst.idx.add.f32.msk $0xffff, v2  }
0x43: {  	v59 =	vadd.s32 $0x5000, v1;
	v2 =	vld.idx.msk [tilespmem:v58+s14+$0x0], $0xffff  }
0x44: {  	v0 =	vadd.s32 $0x7800, v0;
	_ =	sdelay $0x3  }
0x45: {  	[tilespmem:v59+s11+$0x0] =	vst.idx.add.f32.msk $0xffff, v2  }
0x46: {  	v1 =	vadd.s32 $0x7800, v1;
	v0 =	vld.idx.msk [tilespmem:v0+s14+$0x0], $0xffff;
	_ =	sdelay $0x4  }
0x47: {  	[tilespmem:v1+s11+$0x0] =	vst.idx.add.f32.msk $0xffff, v0  }
0x48: {  	v0 =	vld [tilespmem:s17+$0x30];
	_ =	sdelay $0x4  }
0x49: {  	v1 =	vld [tilespmem:s17+$0x4EB0];
	_ =	sdelay $0x2  }
0x4a: {  	v2 =	vld.idx.msk [tilespmem:v0+s14+$0x0], $0xffff  }
0x4b: {  	v60 =	vadd.s32 $0x2800, v0;
	_ =	sdelay $0x3  }
0x4c: {  	[tilespmem:v1+s11+$0x0] =	vst.idx.add.f32.msk $0xffff, v2  }
0x4d: {  	v61 =	vadd.s32 $0x2800, v1;
	v2 =	vld.idx.msk [tilespmem:v60+s14+$0x0], $0xffff  }
0x4e: {  	v62 =	vadd.s32 $0x5000, v0;
	_ =	sdelay $0x3  }
0x4f: {  	[tilespmem:v61+s11+$0x0] =	vst.idx.add.f32.msk $0xffff, v2  }
0x50: {  	v63 =	vadd.s32 $0x5000, v1;
	v2 =	vld.idx.msk [tilespmem:v62+s14+$0x0], $0xffff  }
0x51: {  	v0 =	vadd.s32 $0x7800, v0;
	_ =	sdelay $0x3  }
0x52: {  	[tilespmem:v63+s11+$0x0] =	vst.idx.add.f32.msk $0xffff, v2  }
0x53: {  	p0 =	sne.s32 s16, $0x13900;
	v1 =	vadd.s32 $0x7800, v1;
	v0 =	vld.idx.msk [tilespmem:v0+s14+$0x0], $0xffff  }
.Ltmp0:
0x54: {  	_ = 	snop;
	(pc) =	sbr.rel @p0 .LBB2_2-.Ltmp0, $2  }
0x55: {  	_ =	sdelay $0x2  }
0x56: {  	s16 =	sadd.s32 $0x100, s16;
	[tilespmem:v1+s11+$0x0] =	vst.idx.add.f32.msk $0xffff, v0  }
0x57: {  	s15 =	sadd.s32 $0x1, s15  }
0x58: {  	p0 =	sne.s32 s15, s9  }
.Ltmp1:
0x59: {  	_ = 	snop;
	(pc) =	sbr.rel @p0 .LBB2_1-.Ltmp1, $4  }
0x5a: {  	[hbm4b:s8+s3] =	stream.linear.scatter [tilespmem:s11], [sflag:$0x1], $0xA000, $0x38;
	[tilespmem:$0x1DD00] =	vst v63  }
0x5b: {  	_ =	swait.ge [sflag:s4], $0xA000  }
0x5c: {  	[sflag:s4] =	ssyncset.done $0x0  }
0x5d: {  	[sflag:s4] =	ssyncadd.s32 $0xFFFF6000  }
0x5e: {  	_ =	sfence.sel $0x180000  }
0x5f: {  	[bflag:$0x0] =	sbarrier.arrive $0xFFFF  }
0x60: {  	p0 =	sne.s32 s0, $0x0;
	_ =	strace $0x9000004D  }
0x61: {  	s0 =	sadd.s32 @!p0 $0x100000, s1;
	[bflag:$0x2] =	sbarrier.arrive $0xFFFF  }
0x62: {  	[sflag:s0] =	ssyncadd.tile.s32 @!p0 $0x1;
	_ =	shalt  }
.Lfunc_end2:
_tile_overlayer_lowered:
.L_overlay_start_2:
0x63: {  	(tag) =	ssettag $0x2  }
0x64: {  	s0 =	rddreg [dreg:$0x0];
	s2 =	stileid.u32  }
0x65: {  	s1 =	rddreg [dreg:$0x1];
	p0 =	sne.s32 s2, $0x0  }
0x66: {  	s3 =	rddreg [dreg:$0x2];
	[bflag:$0x3] =	sbarrier.arrive $0xFFFF;
	s2 =	simm.s32 @!p0 $0x1C01  }
0x67: {  	[timem:s3], [sflag:s2] =	dma.local @!p0 [hbm:s0], s1  }
0x68: {  	s0 =	simm.s32 @!p0 $0x1  }
0x69: {  	_ =	swait.ge @!p0 [sflag:s0], s1  }
0x6a: {  	s1 =	ssub.s32 @!p0 $0x0, s1;
	[sflag:s0] =	ssyncset.done @!p0 $0x0  }
0x6b: {  	[sflag:s0] =	ssyncadd.s32 @!p0 s1  }
0x6c: {  	[bflag:$0x3] =	sbarrier.arrive $0xFFFF  }
0x6d: {  	_ =	shalt  }

// kernel: kernel.8.cloned.1.call-start
scs
__scs_entry_jumppad:
0x0: {  	(pc) =	sbr.rel $0x88, $3  }
0x1: {  	(tag) =	ssettag $0x0;
	lr =	simm.s32 $0x1  }
0x2: {  	[smem:$0x3F9B] =	sst lr;
	_ =	strace $0xD0000000  }
0x3: {  	_ = 	snop  }
0x4: {  	_ = 	snop  }
0x5: {  	_ = 	snop  }
0x6: {  	_ = 	snop  }
0x7: {  	_ = 	snop  }
__scs_overlays_trampoline_lowered:
0x8: {  	[smem:$0x3FAA] =	sst s0  }
0x9: {  	[smem:$0x3FAB] =	sst s1  }
0xa: {  	[smem:$0x3FAC] =	sst s2  }
0xb: {  	[smem:$0x3FAD] =	sst s3  }
0xc: {  	[smem:$0x3FAE] =	sst s4  }
0xd: {  	[smem:$0x3FAF] =	sst s5  }
0xe: {  	[smem:$0x3FB0] =	sst s6  }
0xf: {  	[smem:$0x3FB1] =	sst s7  }
0x10: {  	[smem:$0x3FB2] =	sst s8  }
0x11: {  	[smem:$0x3FB3] =	sst s9;
	s0 =	simm.s32 @!p0 $0x0  }
0x12: {  	s1 =	sld [smem:$0x3F99];
	s0 =	simm.s32 @p0 $0x1  }
0x13: {  	[smem:$0x3FB4] =	sst s0;
	s0 =	simm.s32 @!p1 $0x0  }
0x14: {  	s2 =	sld [smem:$0x3F98];
	s0 =	simm.s32 @p1 $0x1  }
0x15: {  	[smem:$0x3FB5] =	sst s0;
	s0 =	simm.s32 @!p2 $0x0  }
0x16: {  	s3 =	sld [smem:$0x3FDB];
	s0 =	simm.s32 @p2 $0x1  }
0x17: {  	s4 =	simm.s32 $0x1BF5;
	[smem:$0x3FB7] =	sst s0  }
0x18: {  	s0 =	sld [smem:$0x3F9A];
	_ =	swait.ge [sflag:s4], $0x0  }
0x19: {  	s7 =	sld [smem:$0x3F9B]  }
0x1a: {  	s8 =	sadd.s32 $0xFFFFE003, lr  }
0x1b: {  	s9 =	sadd.s32 $0xFFFFFEF7, lr;
	s5 =	simm.s32 $0xFFFFFFFF;
	p2 =	slt.u32 s8, $0xFFFFF086  }
0x1c: {  	p1 =	slt.u32 s9, $0xF7A;
	s5 =	simm.s32 @!p2 $0x0  }
0x1d: {  	s5 =	simm.s32 @p1 $0x1;
	p0 =	seq.s32 s7, s2  }
0x1e: {  	s7 =	smul.u32 @!p0 $0xF7A, s2;
	p2 =	seq.s32 @!p0 s5, $0x0  }
0x1f: {  	s9 =	smul.u32 $0xF7A, s1;
	s8 =	simm.s32 @!p0 $0x1BF5;
	p2 =	por !p2, p0  }
0x20: {  	[sflag:s8] =	ssyncset.s32 @!p0 $0xFFFFF086;
	s6 =	sadd.s32 @!p0 s3, s7;
	s7 =	simm.s32 @!p0 $0x108  }
0x21: {  	s3 =	sadd.s32 s3, s9;
	s6 =	sadd.s32 @!p0 $0x88, s6;
	s7 =	simm.s32 @p2 $0x1082  }
0x22: {  	[simem:s7], [sflag:s8] =	dma.local @!p0 [hbm:s6], $0xF7A  }
0x23: {  	s9 =	sor.u32 $0xD0000000, s2;
	s6 =	simm.s32 $0x108;
	_ =	swait.ge @!p0 [sflag:s8], $0x0  }
0x24: {  	s3 =	sadd.s32 $0x88, s3;
	s6 =	simm.s32 @!p1 $0x1082;
	[sflag:s4] =	ssyncset.s32 $0xFFFFF086  }
0x25: {  	[simem:s6], [sflag:s4] =	dma.local [hbm:s3], $0xF7A  }
0x26: {  	[smem:$0x3F9B] =	sst s1;
	(tag) =	ssettag s2;
	_ =	strace s9  }
0x27: {  	s1 =	sld [smem:$0x3FAB]  }
0x28: {  	s2 =	sld [smem:$0x3FAC]  }
0x29: {  	s4 =	sld [smem:$0x3FAE]  }
0x2a: {  	p0 =	seq.s32 s5, $0x0;
	s5 =	sld [smem:$0x3FAF]  }
0x2b: {  	s6 =	sld [smem:$0x3FB0]  }
0x2c: {  	s7 =	sld [smem:$0x3FB1]  }
0x2d: {  	s3 =	simm.s32 $0x108;
	s8 =	sld [smem:$0x3FB2]  }
0x2e: {  	s3 =	simm.s32 @!p0 $0x1082;
	s9 =	sld [smem:$0x3FB3]  }
0x2f: {  	lr =	sadd.s32 s0, s3;
	s0 =	sld [smem:$0x3FAA]  }
0x30: {  	s3 =	sld [smem:$0x3FAD]  }
0x31: {  	[smem:$0x3FB6] =	sst s10  }
0x32: {  	s10 =	sld [smem:$0x3FB4];
	_ =	sdelay $0x3  }
0x33: {  	p0 =	seq.s32 s10, $0x1;
	s10 =	sld [smem:$0x3FB6];
	_ =	sdelay $0x3  }
0x34: {  	[smem:$0x3FB6] =	sst s10  }
0x35: {  	s10 =	sld [smem:$0x3FB5];
	_ =	sdelay $0x3  }
0x36: {  	p1 =	seq.s32 s10, $0x1;
	s10 =	sld [smem:$0x3FB6];
	_ =	sdelay $0x3  }
0x37: {  	[smem:$0x3FB6] =	sst s10  }
0x38: {  	s10 =	sld [smem:$0x3FB7]  }
0x39: {  	_ = 	snop;
	(pc) =	sbr.ind lr, $3  }
0x3a: {  	_ = 	snop  }
0x3b: {  	_ = 	snop  }
0x3c: {  	p2 =	seq.s32 s10, $0x1;
	s10 =	sld [smem:$0x3FB6]  }
0x3d: {  	_ =	shalt  }
0x3e: {  	_ =	shalt  }
0x3f: {  	_ =	shalt  }
0x40: {  	_ =	shalt  }
0x41: {  	_ =	shalt  }
0x42: {  	_ =	shalt  }
0x43: {  	_ =	shalt  }
0x44: {  	_ =	shalt  }
0x45: {  	_ =	shalt  }
0x46: {  	_ =	shalt  }
0x47: {  	_ =	shalt  }
0x48: {  	_ =	shalt  }
0x49: {  	_ =	shalt  }
0x4a: {  	_ =	shalt  }
0x4b: {  	_ =	shalt  }
0x4c: {  	_ =	shalt  }
0x4d: {  	_ =	shalt  }
0x4e: {  	_ =	shalt  }
0x4f: {  	_ =	shalt  }
0x50: {  	_ =	shalt  }
0x51: {  	_ =	shalt  }
0x52: {  	_ =	shalt  }
0x53: {  	_ =	shalt  }
0x54: {  	_ =	shalt  }
0x55: {  	_ =	shalt  }
0x56: {  	_ =	shalt  }
0x57: {  	_ =	shalt  }
0x58: {  	_ =	shalt  }
0x59: {  	_ =	shalt  }
0x5a: {  	_ =	shalt  }
0x5b: {  	_ =	shalt  }
0x5c: {  	_ =	shalt  }
0x5d: {  	_ =	shalt  }
0x5e: {  	_ =	shalt  }
0x5f: {  	_ =	shalt  }
0x60: {  	_ =	shalt  }
0x61: {  	_ =	shalt  }
0x62: {  	_ =	shalt  }
0x63: {  	_ =	shalt  }
0x64: {  	_ =	shalt  }
0x65: {  	_ =	shalt  }
0x66: {  	_ =	shalt  }
0x67: {  	_ =	shalt  }
0x68: {  	_ =	shalt  }
0x69: {  	_ =	shalt  }
0x6a: {  	_ =	shalt  }
0x6b: {  	_ =	shalt  }
0x6c: {  	_ =	shalt  }
0x6d: {  	_ =	shalt  }
0x6e: {  	_ =	shalt  }
0x6f: {  	_ =	shalt  }
0x70: {  	_ =	shalt  }
0x71: {  	_ =	shalt  }
0x72: {  	_ =	shalt  }
0x73: {  	_ =	shalt  }
0x74: {  	_ =	shalt  }
0x75: {  	_ =	shalt  }
0x76: {  	_ =	shalt  }
0x77: {  	_ =	shalt  }
0x78: {  	_ =	shalt  }
0x79: {  	_ =	shalt  }
0x7a: {  	_ =	shalt  }
0x7b: {  	_ =	shalt  }
0x7c: {  	_ =	shalt  }
0x7d: {  	_ =	shalt  }
0x7e: {  	_ =	shalt  }
0x7f: {  	_ =	shalt  }
0x80: {  	_ =	shalt  }
0x81: {  	_ =	shalt  }
0x82: {  	_ =	shalt  }
0x83: {  	_ =	shalt  }
0x84: {  	_ =	shalt  }
0x85: {  	_ =	shalt  }
0x86: {  	_ =	shalt  }
0x87: {  	_ =	shalt  }
.Lfunc_end0:
.L_simem_size_0:
called_computation_lowered:
.L_overlay_start_0:
0x88: {  	s2 =	sld [smem:$0x3FD9]  }
0x89: {  	s3 =	sld [smem:$0x3FFE];
	_ =	sdelay $0x1  }
0x8a: {  	s1 =	srdreg.scid  }
0x8b: {  	s0 =	sand.u32 $0x1, s1  }
0x8c: {  	s17 =	sshll.u32 s0, $0xA;
	s2 =	sadd.s32 s3, s2  }
0x8d: {  	s2 =	sadd.s32 s2, s17  }
0x8e: {  	[smem:$0x3FC2] =	sst s2  }
0x8f: {  	_ = 	snop  }
0x90: {  	s2 =	sld [smem:$0x3FD0];
	(tm) =	ssettm $0x1  }
0x91: {  	s18 =	sld [smem:$0x3FFB];
	_ =	sdelay $0x3  }
0x92: {  	_ =	strace s18  }
0x93: {  	s3 =	sld [smem:$0x3FFC];
	_ =	sdelay $0x3  }
0x94: {  	_ =	strace s3  }
0x95: {  	s3 =	sld [smem:$0x3FFD];
	_ =	sdelay $0x3  }
0x96: {  	_ =	strace s3  }
0x97: {  	_ =	strace $0x8FFFFFFF  }
0x98: {  	s19 =	sld [smem:$0x3FDB];
	_ =	sdelay $0x1  }
0x99: {  	s4 =	simm.s32 $_scs_section_size  }
0x9a: {  	s5 =	simm.s32 $_size__tile_overlayer_lowered;
	s6 =	simm.s32 $_tile_overlayer_lowered  }
0x9b: {  	s22 =	simm.s32 $0x1BFF;
	s21 =	sshll.u32 s6, $0x1;
	s3 =	sadd.s32 s4, s19  }
0x9c: {  	s7 =	simm.s32 $0x0;
	s20 =	sshll.u32 s5, $0x1;
	s5 =	sadd.s32 s21, s3  }
0x9d: {  	[timem:s7], [sflag:s22] =	dma.local [hbm:s5], s20  }
0x9e: {  	_ =	swait.ge [sflag:s22], s20  }
0x9f: {  	s4 =	ssub.s32 $0x0, s20;
	[sflag:s22] =	ssyncset.done $0x0  }
0xa0: {  	[sflag:s22] =	ssyncadd.s32 s4;
	_ =	sdelay $0x1  }
0xa1: {  	s23 =	simm.s32 $0x1B8B  }
0xa2: {  	_ =	swait.ge [sflag:s23], $0x1  }
0xa3: {  	[sflag:s23] =	ssyncset.done $0x0  }
0xa4: {  	s25 =	simm.s32 $0x1B8E;
	s24 =	sld [smem:$0x3FFE];
	[sflag:s23] =	ssyncadd.s32 $0xFFFFFFFF  }
0xa5: {  	s26 =	simm.s32 $execute0_lowered;
	[smem:$0x3FD2] =	sst s25  }
0xa6: {  	s5 =	sshll.u32 s26, $0x1;
	_ =	strace $0x80000046;
	[dreg:$0x1] =	wrdreg $0xFFFFFFFF  }
0xa7: {  	s28 =	simm.s32 $_size_execute0_lowered;
	s3 =	sadd.s32 s3, s5;
	[dreg:$0x0] =	wrdreg $0x0  }
0xa8: {  	s5 =	sshll.u32 s28, $0x1;
	[dreg:$0x2] =	wrdreg s3  }
0xa9: {  	[dreg:$0x3] =	wrdreg s5  }
0xaa: {  	[dreg:$0x4] =	wrdreg $0xC0  }
0xab: {  	_ =	task [dreg:s7], $0x5FFFF  }
0xac: {  	[dreg:$0x1] =	wrdreg $0xFFFFFFFF  }
0xad: {  	[dreg:$0x0] =	wrdreg $0x60  }
0xae: {  	[dreg:$0x2] =	wrdreg s24  }
0xaf: {  	[dreg:$0x3] =	wrdreg s2  }
0xb0: {  	[dreg:$0x4] =	wrdreg $0x9  }
0xb1: {  	_ =	task.clear_ibuf [dreg:s7], $0x5FFFF;
	_ =	strace $0x90000046  }
0xb2: {  	s29 =	simm.s32 $0x9;
	_ =	strace $0x80000048  }
0xb3: {  	_ =	swait.ge [sflag:s29], $0x1  }
0xb4: {  	[sflag:s29] =	ssyncadd.s32 $0xFFFFFFFF  }
0xb5: {  	_ =	strace $0x90000048  }
0xb6: {  	_ =	sfence  }
0xb7: {  	s30 =	sld [smem:$0x0];
	_ =	sdelay $0x2  }
0xb8: {  	s31 =	sshll.u32 s1, $0xD;
	s1 =	sshrl.u32 s1, $0x2  }
0xb9: {  	s3 =	sand.u32 $0x4000, s31;
	s1 =	sadd.s32 s1, s30  }
0xba: {  	s0 =	sor.u32 s3, s0;
	s1 =	sshll.u32 s1, $0x11  }
0xbb: {  	s0 =	sor.u32 s1, s0  }
0xbc: {  	s0 =	sadd.s32 $0x8F2B, s0  }
0xbd: {  	[sflag:s0] =	ssyncadd.remote.s32 $0x1  }
0xbe: {  	_ =	sfence.sel $0xFFFF  }
0xbf: {  	[dreg:$0x0] =	wrdreg $0xFFFFFFFF;
	(pc) =	sbr.abs _section_cstart, $3  }
0xc0: {  	[dreg:$0x1] =	wrdreg $0xFFFFFFFF  }
0xc1: {  	_ =	task.clear_ibuf [dreg:s7], $0x2FFFF;
	_ =	strace $0x9FFFFFFF  }
0xc2: {  	(tm) =	ssettm $0x7FFFFFFF  }
0xc3: {  	_ =	shalt  }
tec
execute0_lowered:
.L_overlay_start_1:
0x0: {  	(tag) =	ssettag $0x1  }
0x1: {  	s0 =	srdreg.scid  }
0x2: {  	s5 =	rddreg [dreg:$0x0];
	s4 =	sand.u32 $0x1, s0  }
0x3: {  	s2 =	rddreg [dreg:$0x1];
	s0 =	stileid.u32;
	s1 =	sshll.u32 s4, $0x4  }
0x4: {  	s3 =	simm.s32 $0x0;
	s9 =	simm.s32 $0x0;
	s6 =	sor.u32 s0, s1  }
0x5: {  	[smem:$0x7FF] =	sst s3;
	s4 =	ssub.s32 $0x2, s4;
	s7 =	smul.u32 $0x9D0, s6  }
0x6: {  	s1 =	rddreg [dreg:$0x2];
	s8 =	sshrl.u32 s4, $0x1;
	s6 =	smul.u32 $0x500, s6  }
0x7: {  	_ =	strace $0x80000047;
	s31 =	ssub.s32 s4, s8;
	s8 =	simm.s32 $0x4E80  }
0x8: {  	s7 =	sadd.s32 s7, s5;
	s5 =	sadd.s32 s6, s5;
	s6 =	smax.u32 s31, $0x1  }
0x9: {  	v0 =	vimm.f32 $1.000000000e+00;
	s4 =	sadd.s32 $0x2E00, s7;
	s5 =	sadd.s32 $0x16800, s5;
	s7 =	simm.s32 $0x1  }
.LBB2_1:
0xa: {  	[tilespmem:s3], [sflag:$0x1] =	stream.linear.gather [hbm4b:s4+s3], $0x4E80, $0x38;
	[tilespmem:$0x7680] =	vst v63  }
0xb: {  	_ =	swait.ge [sflag:s7], $0x4E80  }
0xc: {  	[sflag:s7] =	ssyncset.done $0x0  }
0xd: {  	[sflag:s7] =	ssyncadd.s32 $0xFFFFB180  }
0xe: {  	[tilespmem:s8], [sflag:$0x1] =	stream.linear.gather [hbm4b:s2+s3], $0x2800, $0x38;
	[tilespmem:$0x7680] =	vst v63  }
0xf: {  	_ =	swait.ge [sflag:s7], $0x2800  }
0x10: {  	[sflag:s7] =	ssyncset.done $0x0  }
0x11: {  	s10 =	simm.s32 $0x0;
	[sflag:s7] =	ssyncadd.s32 $0xFFFFD800  }
.LBB2_2:
0x12: {  	s11 =	sshra.s32 s10, $0x2  }
0x13: {  	v1 =	vld [tilespmem:s11+$0x0];
	_ =	sdelay $0x7  }
0x14: {  	[tilespmem:v1+s8+$0x0] =	vst.idx.add.f32.msk $0xffff, v0  }
0x15: {  	v1 =	vld [tilespmem:s11+$0x10];
	_ =	sdelay $0x7  }
0x16: {  	[tilespmem:v1+s8+$0x0] =	vst.idx.add.f32.msk $0xffff, v0  }
0x17: {  	v1 =	vld [tilespmem:s11+$0x20];
	_ =	sdelay $0x7  }
0x18: {  	[tilespmem:v1+s8+$0x0] =	vst.idx.add.f32.msk $0xffff, v0  }
0x19: {  	v1 =	vld [tilespmem:s11+$0x30];
	_ =	sdelay $0x2  }
0x1a: {  	p0 =	sne.s32 s10, $0x13900  }
.Ltmp0:
0x1b: {  	_ = 	snop;
	(pc) =	sbr.rel @p0 .LBB2_2-.Ltmp0, $2  }
0x1c: {  	_ =	sdelay $0x2  }
0x1d: {  	s10 =	sadd.s32 $0x100, s10;
	[tilespmem:v1+s8+$0x0] =	vst.idx.add.f32.msk $0xffff, v0  }
0x1e: {  	s9 =	sadd.s32 $0x1, s9  }
0x1f: {  	p0 =	sne.s32 s9, s6  }
.Ltmp1:
0x20: {  	_ = 	snop;
	(pc) =	sbr.rel @p0 .LBB2_1-.Ltmp1, $4  }
0x21: {  	[hbm4b:s5+s3] =	stream.linear.scatter [tilespmem:s8], [sflag:$0x1], $0x2800, $0x38;
	[tilespmem:$0x7680] =	vst v63  }
0x22: {  	_ =	swait.ge [sflag:s7], $0x2800  }
0x23: {  	[sflag:s7] =	ssyncset.done $0x0  }
0x24: {  	[sflag:s7] =	ssyncadd.s32 $0xFFFFD800  }
0x25: {  	_ =	sfence.sel $0x180000  }
0x26: {  	[bflag:$0x0] =	sbarrier.arrive $0xFFFF  }
0x27: {  	p0 =	sne.s32 s0, $0x0;
	_ =	strace $0x90000047  }
0x28: {  	s0 =	sadd.s32 @!p0 $0x100000, s1;
	[bflag:$0x2] =	sbarrier.arrive $0xFFFF  }
0x29: {  	[sflag:s0] =	ssyncadd.tile.s32 @!p0 $0x1;
	_ =	shalt  }
.Lfunc_end2:
_tile_overlayer_lowered:
.L_overlay_start_2:
0x2a: {  	(tag) =	ssettag $0x2  }
0x2b: {  	s0 =	rddreg [dreg:$0x0];
	s2 =	stileid.u32  }
0x2c: {  	s1 =	rddreg [dreg:$0x1];
	p0 =	sne.s32 s2, $0x0  }
0x2d: {  	s3 =	rddreg [dreg:$0x2];
	[bflag:$0x3] =	sbarrier.arrive $0xFFFF;
	s2 =	simm.s32 @!p0 $0x1C01  }
0x2e: {  	[timem:s3], [sflag:s2] =	dma.local @!p0 [hbm:s0], s1  }
0x2f: {  	s0 =	simm.s32 @!p0 $0x1  }
0x30: {  	_ =	swait.ge @!p0 [sflag:s0], s1  }
0x31: {  	s1 =	ssub.s32 @!p0 $0x0, s1;
	[sflag:s0] =	ssyncset.done @!p0 $0x0  }
0x32: {  	[sflag:s0] =	ssyncadd.s32 @!p0 s1  }
0x33: {  	[bflag:$0x3] =	sbarrier.arrive $0xFFFF  }
0x34: {  	_ =	shalt  }

</sc_bundles>
